<compile_context>
chip_gen: v7x
topology: tpu7x:2x2x1
jax: 0.10.2.dev20260603
libtpu: 0.0.44.dev20260713+nightly
codegen_flags: <defaults>
</compile_context>

<pallas_src>
import functools

import jax
import jax.numpy as jnp
from jax import lax
from jax.experimental import pallas as pl
from jax.experimental.pallas import tpu as pltpu
from jax.experimental.pallas import tpu_sc as plsc

N = 10000
D = 128
E = 320000

NC = 2
NS = 16
NW = NC * NS

K = 128
CH = -(-E // (NW * K))
EPT = CH * K
E_PAD = EPT * NW

NP = 10240
RPS = NP // NS

_sc_mesh = plsc.VectorSubcoreMesh(core_axis_name="c", subcore_axis_name="s")


@functools.partial(
    pl.kernel,
    out_type=(
        jax.ShapeDtypeStruct((NC * NP, D), jnp.float32),
        jax.ShapeDtypeStruct((NW, NP), jnp.float32),
    ),
    mesh=_sc_mesh,
    scratch_types=[
        pltpu.VMEM((EPT,), jnp.int32),
        pltpu.VMEM((K,), jnp.int32),
        pltpu.VMEM((K, D), jnp.float32),
        pltpu.VMEM((NP,), jnp.float32),
        pltpu.VMEM_SHARED((NP, D), jnp.float32),
        pltpu.SemaphoreType.DMA,
    ],
    compiler_params=pltpu.CompilerParams(needs_layout_passes=False),
)
def _sc_segsum(h_hbm, src_hbm, dst_hbm, z_d_hbm, z_deg_hbm,
               out_sum, out_deg,
               src_t, dst_v, rows_v, deg_v, acc, sem):
    cid = lax.axis_index("c")
    sid = lax.axis_index("s")
    wid = sid * NC + cid

    pltpu.sync_copy(z_d_hbm, rows_v)
    pltpu.sync_copy(z_deg_hbm, deg_v)

    @pl.loop(0, RPS // K)
    def zinit(j):
        pltpu.sync_copy(rows_v, acc.at[pl.ds(sid * RPS + j * K, K)])

    plsc.subcore_barrier()

    ones16 = jnp.ones((16,), jnp.float32)

    pltpu.sync_copy(src_hbm.at[pl.ds(wid * EPT, EPT)], src_t)

    @pl.loop(0, CH)
    def chunk(i):
        g = pltpu.async_copy(h_hbm.at[src_t.at[pl.ds(i * K, K)]], rows_v, sem)
        pltpu.sync_copy(dst_hbm.at[pl.ds(wid * EPT + i * K, K)], dst_v)
        g.wait()
        pltpu.sync_copy(rows_v, acc.at[dst_v], add=True)
        for l in range(K // 16):
            plsc.addupdate_scatter(deg_v, [dst_v[pl.ds(l * 16, 16)]], ones16)

    plsc.subcore_barrier()

    @pl.loop(0, RPS // K)
    def zout(j):
        r = sid * RPS + j * K
        pltpu.sync_copy(acc.at[pl.ds(r, K)], rows_v)
        pltpu.sync_copy(rows_v, out_sum.at[pl.ds(cid * NP + r, K)])

    pltpu.sync_copy(deg_v, out_deg.at[wid])


def _relu_body(x_ref, o_ref):
    o_ref[...] = jnp.maximum(x_ref[...], 0.0)


def _relu_tc(x):
    rows = 1000
    return pl.pallas_call(
        _relu_body,
        out_shape=jax.ShapeDtypeStruct((N, D), jnp.float32),
        grid=(N // rows,),
        in_specs=[pl.BlockSpec((rows, D), lambda i: (i, 0))],
        out_specs=pl.BlockSpec((rows, D), lambda i: (i, 0)),
    )(x)


def _combine_body(h_ref, s_ref, d_ref, ws_ref, wn_ref, b_ref, o_ref, *, relu):
    summed = s_ref[0] + s_ref[1]
    deg = jnp.sum(d_ref[...], axis=1)[:, None]
    agg = summed / jnp.maximum(deg, 1.0)
    out = (jnp.dot(h_ref[...], ws_ref[...], preferred_element_type=jnp.float32)
           + jnp.dot(agg, wn_ref[...], preferred_element_type=jnp.float32)
           + b_ref[...])
    if relu:
        out = jnp.maximum(out, 0.0)
    o_ref[...] = out


def _combine_tc(h, s, d, w_self, w_neigh, b, relu):
    rows = 1000
    return pl.pallas_call(
        functools.partial(_combine_body, relu=relu),
        out_shape=jax.ShapeDtypeStruct((N, D), jnp.float32),
        grid=(N // rows,),
        in_specs=[
            pl.BlockSpec((rows, D), lambda i: (i, 0)),
            pl.BlockSpec((NC, rows, D), lambda i: (0, i, 0)),
            pl.BlockSpec((rows, NW), lambda i: (i, 0)),
            pl.BlockSpec((D, D), lambda i: (0, 0)),
            pl.BlockSpec((D, D), lambda i: (0, 0)),
            pl.BlockSpec((D,), lambda i: (0,)),
        ],
        out_specs=pl.BlockSpec((rows, D), lambda i: (i, 0)),
    )(h, s, d, w_self, w_neigh, b)


def _pad_edges(edge_index):
    pad = E_PAD - E
    src = jnp.concatenate([edge_index[0], jnp.zeros((pad,), jnp.int32)])
    dst = jnp.concatenate([edge_index[1], jnp.full((pad,), N, jnp.int32)])
    return src, dst


def kernel(feat, edge_index1, edge_index2, W_self1, W_neigh1, b1,
           W_self2, W_neigh2, b2):
    src1, dst1 = _pad_edges(edge_index1)
    src2, dst2 = _pad_edges(edge_index2)
    z_d = jnp.zeros((K, D), jnp.float32)
    z_deg = jnp.zeros((NP,), jnp.float32)

    h0 = _relu_tc(feat)
    s1, d1 = _sc_segsum(h0, src1, dst1, z_d, z_deg)
    h1 = _combine_tc(h0, s1.reshape(NC, NP, D), d1.T,
                     W_self1, W_neigh1, b1, relu=True)
    s2, d2 = _sc_segsum(h1, src2, dst2, z_d, z_deg)
    out = _combine_tc(h1, s2.reshape(NC, NP, D), d2.T,
                      W_self2, W_neigh2, b2, relu=False)
    return out

# --- scband reference (transcript-rebuilt; emitter-appended) ---
"""Pipeline reference for scband-sage-p3-76046690943451 (READ-ONLY COPY).

The authoritative reference and input builder live on the scoring server;
editing this copy changes nothing except your own understanding.
"""

import jax, jax.numpy as jnp
import numpy as np

N = 10000
E = 320000
D = 128


def setup_inputs(seed: int = 0) -> dict:
    key = jax.random.key(seed)
    ks = jax.random.split(key, 10)
    feat = jax.random.normal(ks[0], (N, D), dtype=jnp.float32)
    edge_index1 = jax.random.randint(ks[1], (2, E), 0, N, dtype=jnp.int32)
    edge_index2 = jax.random.randint(ks[2], (2, E), 0, N, dtype=jnp.int32)
    scale = 1.0 / np.sqrt(D)
    W_self1 = jax.random.normal(ks[3], (D, D), dtype=jnp.float32) * scale
    W_neigh1 = jax.random.normal(ks[4], (D, D), dtype=jnp.float32) * scale
    b1 = jnp.zeros((D,), dtype=jnp.float32)
    W_self2 = jax.random.normal(ks[5], (D, D), dtype=jnp.float32) * scale
    W_neigh2 = jax.random.normal(ks[6], (D, D), dtype=jnp.float32) * scale
    b2 = jnp.zeros((D,), dtype=jnp.float32)
    return {
        "feat": feat,
        "edge_index1": edge_index1,
        "edge_index2": edge_index2,
        "W_self1": W_self1,
        "W_neigh1": W_neigh1,
        "b1": b1,
        "W_self2": W_self2,
        "W_neigh2": W_neigh2,
        "b2": b2,
    }


def _sage_conv_mean(h, edge_index, W_self, W_neigh, b):
    # DGL SAGEConv with aggregator_type='mean':
    #   h_neigh = mean over incoming edges of h[src]
    #   out = h_dst @ W_self + h_neigh @ W_neigh + b
    src = edge_index[0]
    dst = edge_index[1]
    msg = jnp.take(h, src, axis=0)
    summed = jax.ops.segment_sum(msg, dst, num_segments=N)
    deg = jax.ops.segment_sum(jnp.ones((edge_index.shape[1],), jnp.float32), dst, num_segments=N)
    agg = summed / jnp.maximum(deg, 1.0)[:, None]
    return h @ W_self + agg @ W_neigh + b


def reference(feat, edge_index1, edge_index2, W_self1, W_neigh1, b1, W_self2, W_neigh2, b2):
    # SageP3.forward with dropout in eval mode (identity).
    h = jax.nn.relu(feat)
    h = _sage_conv_mean(h, edge_index1, W_self1, W_neigh1, b1)
    h = jax.nn.relu(h)  # not last layer
    h = _sage_conv_mean(h, edge_index2, W_self2, W_neigh2, b2)
    return h

if __name__ == "__main__":
    import jax
    _d = setup_inputs()
    print(jax.jit(kernel)(*tuple(_d.values())))

</pallas_src>

<mosaic_0001>
#map = affine_map<(d0, d1) -> (0, 0)>
#map1 = affine_map<(d0, d1) -> (0)>
module attributes {stable_mosaic.version = 14 : i64} {
  func.func @_sc_segsum(%arg0: i32, %arg1: i32, %arg2: memref<10000x128xf32, #tpu.memory_space<hbm>>, %arg3: memref<323584xi32, #tpu.memory_space<hbm>>, %arg4: memref<323584xi32, #tpu.memory_space<hbm>>, %arg5: memref<128x128xf32, #tpu.memory_space<hbm>>, %arg6: memref<10240xf32, #tpu.memory_space<hbm>>, %arg7: memref<20480x128xf32, #tpu.memory_space<hbm>>, %arg8: memref<32x10240xf32, #tpu.memory_space<hbm>>, %arg9: memref<10112xi32, #tpu.memory_space<vmem>>, %arg10: memref<128xi32, #tpu.memory_space<vmem>>, %arg11: memref<128x128xf32, #tpu.memory_space<vmem>>, %arg12: memref<10240xf32, #tpu.memory_space<vmem>>, %arg13: memref<10240x128xf32, #tpu.memory_space<vmem_shared>>, %arg14: memref<!tpu.dma_semaphore, #tpu.memory_space<semaphore_mem>>) attributes {dimension_semantics = [#tpu.dimension_semantics<core_parallel>, #tpu.dimension_semantics<subcore_parallel>], iteration_bounds = array<i64: 2, 16>, scalar_prefetch = 0 : i64, scratch_operands = 6 : i64, tpu.core_type = #tpu.core_type<sc_vector_subcore>, window_params = [{transform_indices = #map}, {transform_indices = #map1}, {transform_indices = #map1}, {transform_indices = #map}, {transform_indices = #map1}, {transform_indices = #map}, {transform_indices = #map}]} {
    %mul3A = arith.constant 2 : i32
    %mul3A_0 = arith.muli %arg1, %mul3A : i32
    %add3A = arith.addi %mul3A_0, %arg0 : i32
    "tpu.region"() ({
      %run_scoped3A = tpu.sem_alloc : memref<!tpu.dma_semaphore, #tpu.memory_space<semaphore_mem>>
      tpu.enqueue_dma source(%arg5 : memref<128x128xf32, #tpu.memory_space<hbm>>) target(%arg11 : memref<128x128xf32, #tpu.memory_space<vmem>>) target_semaphore(%run_scoped3A : memref<!tpu.dma_semaphore, #tpu.memory_space<semaphore_mem>>)
      tpu.wait_dma2 semaphore(%run_scoped3A : memref<!tpu.dma_semaphore, #tpu.memory_space<semaphore_mem>>) src(%arg5 : memref<128x128xf32, #tpu.memory_space<hbm>>) dst(%arg11 : memref<128x128xf32, #tpu.memory_space<vmem>>)
      tpu.yield
    }) : () -> ()
    "tpu.region"() ({
      %run_scoped3A = tpu.sem_alloc : memref<!tpu.dma_semaphore, #tpu.memory_space<semaphore_mem>>
      tpu.enqueue_dma source(%arg6 : memref<10240xf32, #tpu.memory_space<hbm>>) target(%arg12 : memref<10240xf32, #tpu.memory_space<vmem>>) target_semaphore(%run_scoped3A : memref<!tpu.dma_semaphore, #tpu.memory_space<semaphore_mem>>)
      tpu.wait_dma2 semaphore(%run_scoped3A : memref<!tpu.dma_semaphore, #tpu.memory_space<semaphore_mem>>) src(%arg6 : memref<10240xf32, #tpu.memory_space<hbm>>) dst(%arg12 : memref<10240xf32, #tpu.memory_space<vmem>>)
      tpu.yield
    }) : () -> ()
    %scan3A = arith.constant 0 : i32
    %scan3A_1 = arith.constant 5 : i32
    %scan3A_2 = arith.addi %scan3A, %scan3A_1 : i32
    %scan3A_3 = arith.constant 1 : i32
    scf.for %scan3A_19 = %scan3A to %scan3A_2 step %scan3A_3  : i32 {
      %mul3A_20 = arith.constant 1 : i32
      %mul3A_21 = arith.muli %scan3A_19, %mul3A_20 : i32
      %add3A_22 = arith.constant 0 : i32
      %add3A_23 = arith.addi %add3A_22, %mul3A_21 : i32
      %mul3A_24 = arith.constant 640 : i32
      %mul3A_25 = arith.muli %arg1, %mul3A_24 : i32
      %mul3A_26 = arith.constant 128 : i32
      %mul3A_27 = arith.muli %add3A_23, %mul3A_26 : i32
      %add3A_28 = arith.addi %mul3A_25, %mul3A_27 : i32
      "tpu.region"() ({
        %run_scoped3A = tpu.sem_alloc : memref<!tpu.dma_semaphore, #tpu.memory_space<semaphore_mem>>
        %dma_start3A = arith.constant 0 : i32
        %dma_start3A_29 = tpu.memref_slice %arg13[%add3A_28, %dma_start3A] : memref<10240x128xf32, #tpu.memory_space<vmem_shared>> -> memref<128x128xf32, #tpu.memory_space<vmem_shared>>
        %dma_start3A_30 = arith.constant 0 : i32
        %dma_start3A_31 = tpu.memref_slice %arg13[%add3A_28, %dma_start3A_30] : memref<10240x128xf32, #tpu.memory_space<vmem_shared>> -> memref<128x128xf32, #tpu.memory_space<vmem_shared>>
        tpu.enqueue_dma source(%arg11 : memref<128x128xf32, #tpu.memory_space<vmem>>) target(%dma_start3A_31 : memref<128x128xf32, #tpu.memory_space<vmem_shared>>) target_semaphore(%run_scoped3A : memref<!tpu.dma_semaphore, #tpu.memory_space<semaphore_mem>>)
        %dma_wait3A = arith.constant 0 : i32
        %dma_wait3A_32 = tpu.memref_slice %arg13[%add3A_28, %dma_wait3A] : memref<10240x128xf32, #tpu.memory_space<vmem_shared>> -> memref<128x128xf32, #tpu.memory_space<vmem_shared>>
        %dma_wait3A_33 = arith.constant 0 : i32
        %dma_wait3A_34 = tpu.memref_slice %arg13[%add3A_28, %dma_wait3A_33] : memref<10240x128xf32, #tpu.memory_space<vmem_shared>> -> memref<128x128xf32, #tpu.memory_space<vmem_shared>>
        tpu.wait_dma2 semaphore(%run_scoped3A : memref<!tpu.dma_semaphore, #tpu.memory_space<semaphore_mem>>) src(%arg11 : memref<128x128xf32, #tpu.memory_space<vmem>>) dst(%dma_wait3A_34 : memref<128x128xf32, #tpu.memory_space<vmem_shared>>)
        tpu.yield
      }) : () -> ()
    }
    %scan3A_4 = arith.constant 5 : i32
    %barrier3A = arith.constant 0 : index
    tpu.barrier barrier_id(%barrier3A)
    %broadcast_in_dim3A = arith.constant 1.000000e+00 : f32
    %broadcast_in_dim3A_5 = vector.broadcast %broadcast_in_dim3A : f32 to vector<16xf32>
    %mul3A_6 = arith.constant 10112 : i32
    %mul3A_7 = arith.muli %add3A, %mul3A_6 : i32
    "tpu.region"() ({
      %run_scoped3A = tpu.sem_alloc : memref<!tpu.dma_semaphore, #tpu.memory_space<semaphore_mem>>
      %dma_start3A = tpu.memref_slice %arg3[%mul3A_7] : memref<323584xi32, #tpu.memory_space<hbm>> -> memref<10112xi32, #tpu.memory_space<hbm>>
      %dma_start3A_19 = tpu.memref_slice %arg3[%mul3A_7] : memref<323584xi32, #tpu.memory_space<hbm>> -> memref<10112xi32, #tpu.memory_space<hbm>>
      tpu.enqueue_dma source(%dma_start3A_19 : memref<10112xi32, #tpu.memory_space<hbm>>) target(%arg9 : memref<10112xi32, #tpu.memory_space<vmem>>) target_semaphore(%run_scoped3A : memref<!tpu.dma_semaphore, #tpu.memory_space<semaphore_mem>>)
      %dma_wait3A = tpu.memref_slice %arg3[%mul3A_7] : memref<323584xi32, #tpu.memory_space<hbm>> -> memref<10112xi32, #tpu.memory_space<hbm>>
      %dma_wait3A_20 = tpu.memref_slice %arg3[%mul3A_7] : memref<323584xi32, #tpu.memory_space<hbm>> -> memref<10112xi32, #tpu.memory_space<hbm>>
      tpu.wait_dma2 semaphore(%run_scoped3A : memref<!tpu.dma_semaphore, #tpu.memory_space<semaphore_mem>>) src(%dma_wait3A_20 : memref<10112xi32, #tpu.memory_space<hbm>>) dst(%arg9 : memref<10112xi32, #tpu.memory_space<vmem>>)
      tpu.yield
    }) : () -> ()
    %scan3A_8 = arith.constant 0 : i32
    %scan3A_9 = arith.constant 79 : i32
    %scan3A_10 = arith.addi %scan3A_8, %scan3A_9 : i32
    %scan3A_11 = arith.constant 1 : i32
    scf.for %scan3A_19 = %scan3A_8 to %scan3A_10 step %scan3A_11  : i32 {
      %mul3A_20 = arith.constant 1 : i32
      %mul3A_21 = arith.muli %scan3A_19, %mul3A_20 : i32
      %add3A_22 = arith.constant 0 : i32
      %add3A_23 = arith.addi %add3A_22, %mul3A_21 : i32
      %mul3A_24 = arith.constant 128 : i32
      %mul3A_25 = arith.muli %add3A_23, %mul3A_24 : i32
      %dma_start3A = tpu.memref_slice %arg9[%mul3A_25] : memref<10112xi32, #tpu.memory_space<vmem>> -> memref<128xi32, #tpu.memory_space<vmem>>
      %dma_start3A_26 = arith.constant 0 : i32
      %dma_start3A_27 = arith.constant 0 : i32
      %dma_start3A_28 = tpu.memref_slice %arg2[%dma_start3A_26, %dma_start3A_27] : memref<10000x128xf32, #tpu.memory_space<hbm>> -> memref<10000x128xf32, #tpu.memory_space<hbm>>
      tpu.enqueue_indirect_dma source(%dma_start3A_28 : memref<10000x128xf32, #tpu.memory_space<hbm>>) target(%arg11 : memref<128x128xf32, #tpu.memory_space<vmem>>) offsets(%dma_start3A : memref<128xi32, #tpu.memory_space<vmem>>) semaphore(%arg14 : memref<!tpu.dma_semaphore, #tpu.memory_space<semaphore_mem>>)
      %mul3A_29 = arith.constant 10112 : i32
      %mul3A_30 = arith.muli %add3A, %mul3A_29 : i32
      %mul3A_31 = arith.constant 128 : i32
      %mul3A_32 = arith.muli %add3A_23, %mul3A_31 : i32
      %add3A_33 = arith.addi %mul3A_30, %mul3A_32 : i32
      "tpu.region"() ({
        %run_scoped3A = tpu.sem_alloc : memref<!tpu.dma_semaphore, #tpu.memory_space<semaphore_mem>>
        %dma_start3A_52 = tpu.memref_slice %arg4[%add3A_33] : memref<323584xi32, #tpu.memory_space<hbm>> -> memref<128xi32, #tpu.memory_space<hbm>>
        %dma_start3A_53 = tpu.memref_slice %arg4[%add3A_33] : memref<323584xi32, #tpu.memory_space<hbm>> -> memref<128xi32, #tpu.memory_space<hbm>>
        tpu.enqueue_dma source(%dma_start3A_53 : memref<128xi32, #tpu.memory_space<hbm>>) target(%arg10 : memref<128xi32, #tpu.memory_space<vmem>>) target_semaphore(%run_scoped3A : memref<!tpu.dma_semaphore, #tpu.memory_space<semaphore_mem>>)
        %dma_wait3A_54 = tpu.memref_slice %arg4[%add3A_33] : memref<323584xi32, #tpu.memory_space<hbm>> -> memref<128xi32, #tpu.memory_space<hbm>>
        %dma_wait3A_55 = tpu.memref_slice %arg4[%add3A_33] : memref<323584xi32, #tpu.memory_space<hbm>> -> memref<128xi32, #tpu.memory_space<hbm>>
        tpu.wait_dma2 semaphore(%run_scoped3A : memref<!tpu.dma_semaphore, #tpu.memory_space<semaphore_mem>>) src(%dma_wait3A_55 : memref<128xi32, #tpu.memory_space<hbm>>) dst(%arg10 : memref<128xi32, #tpu.memory_space<vmem>>)
        tpu.yield
      }) : () -> ()
      %dma_wait3A = tpu.memref_slice %arg9[%mul3A_25] : memref<10112xi32, #tpu.memory_space<vmem>> -> memref<128xi32, #tpu.memory_space<vmem>>
      %dma_wait3A_34 = arith.constant 0 : i32
      %dma_wait3A_35 = arith.constant 0 : i32
      %dma_wait3A_36 = tpu.memref_slice %arg2[%dma_wait3A_34, %dma_wait3A_35] : memref<10000x128xf32, #tpu.memory_space<hbm>> -> memref<10000x128xf32, #tpu.memory_space<hbm>>
      tpu.wait_indirect_dma semaphore(%arg14 : memref<!tpu.dma_semaphore, #tpu.memory_space<semaphore_mem>>) src(%dma_wait3A_36 : memref<10000x128xf32, #tpu.memory_space<hbm>>) dst(%arg11 : memref<128x128xf32, #tpu.memory_space<vmem>>)
      "tpu.region"() ({
        %run_scoped3A = tpu.sem_alloc : memref<!tpu.dma_semaphore, #tpu.memory_space<semaphore_mem>>
        %dma_start3A_52 = arith.constant 0 : i32
        %dma_start3A_53 = arith.constant 0 : i32
        %dma_start3A_54 = tpu.memref_slice %arg13[%dma_start3A_52, %dma_start3A_53] : memref<10240x128xf32, #tpu.memory_space<vmem_shared>> -> memref<10240x128xf32, #tpu.memory_space<vmem_shared>>
        tpu.enqueue_indirect_dma source(%arg11 : memref<128x128xf32, #tpu.memory_space<vmem>>) target(%dma_start3A_54 : memref<10240x128xf32, #tpu.memory_space<vmem_shared>>) offsets(%arg10 : memref<128xi32, #tpu.memory_space<vmem>>) semaphore(%run_scoped3A : memref<!tpu.dma_semaphore, #tpu.memory_space<semaphore_mem>>) {add = true}
        %dma_wait3A_55 = arith.constant 0 : i32
        %dma_wait3A_56 = arith.constant 0 : i32
        %dma_wait3A_57 = tpu.memref_slice %arg13[%dma_wait3A_55, %dma_wait3A_56] : memref<10240x128xf32, #tpu.memory_space<vmem_shared>> -> memref<10240x128xf32, #tpu.memory_space<vmem_shared>>
        tpu.wait_indirect_dma semaphore(%run_scoped3A : memref<!tpu.dma_semaphore, #tpu.memory_space<semaphore_mem>>) src(%arg11 : memref<128x128xf32, #tpu.memory_space<vmem>>) dst(%dma_wait3A_57 : memref<10240x128xf32, #tpu.memory_space<vmem_shared>>)
        tpu.yield
      }) : () -> ()
      %get3A = arith.constant 0 : index
      %get3A_37 = tpu.vector_load %arg10[%get3A] {strides = array<i32>} : memref<128xi32, #tpu.memory_space<vmem>>, vector<16xi32>,
      tpu.vector_store_idx %arg12[%get3A_37], %broadcast_in_dim3A_5 {add = true} : memref<10240xf32, #tpu.memory_space<vmem>>[vector<16xi32>], vector<16xf32>,
      %get3A_38 = arith.constant 16 : index
      %get3A_39 = tpu.vector_load %arg10[%get3A_38] {strides = array<i32>} : memref<128xi32, #tpu.memory_space<vmem>>, vector<16xi32>,
      tpu.vector_store_idx %arg12[%get3A_39], %broadcast_in_dim3A_5 {add = true} : memref<10240xf32, #tpu.memory_space<vmem>>[vector<16xi32>], vector<16xf32>,
      %get3A_40 = arith.constant 32 : index
      %get3A_41 = tpu.vector_load %arg10[%get3A_40] {strides = array<i32>} : memref<128xi32, #tpu.memory_space<vmem>>, vector<16xi32>,
      tpu.vector_store_idx %arg12[%get3A_41], %broadcast_in_dim3A_5 {add = true} : memref<10240xf32, #tpu.memory_space<vmem>>[vector<16xi32>], vector<16xf32>,
      %get3A_42 = arith.constant 48 : index
      %get3A_43 = tpu.vector_load %arg10[%get3A_42] {strides = array<i32>} : memref<128xi32, #tpu.memory_space<vmem>>, vector<16xi32>,
      tpu.vector_store_idx %arg12[%get3A_43], %broadcast_in_dim3A_5 {add = true} : memref<10240xf32, #tpu.memory_space<vmem>>[vector<16xi32>], vector<16xf32>,
      %get3A_44 = arith.constant 64 : index
      %get3A_45 = tpu.vector_load %arg10[%get3A_44] {strides = array<i32>} : memref<128xi32, #tpu.memory_space<vmem>>, vector<16xi32>,
      tpu.vector_store_idx %arg12[%get3A_45], %broadcast_in_dim3A_5 {add = true} : memref<10240xf32, #tpu.memory_space<vmem>>[vector<16xi32>], vector<16xf32>,
      %get3A_46 = arith.constant 80 : index
      %get3A_47 = tpu.vector_load %arg10[%get3A_46] {strides = array<i32>} : memref<128xi32, #tpu.memory_space<vmem>>, vector<16xi32>,
      tpu.vector_store_idx %arg12[%get3A_47], %broadcast_in_dim3A_5 {add = true} : memref<10240xf32, #tpu.memory_space<vmem>>[vector<16xi32>], vector<16xf32>,
      %get3A_48 = arith.constant 96 : index
      %get3A_49 = tpu.vector_load %arg10[%get3A_48] {strides = array<i32>} : memref<128xi32, #tpu.memory_space<vmem>>, vector<16xi32>,
      tpu.vector_store_idx %arg12[%get3A_49], %broadcast_in_dim3A_5 {add = true} : memref<10240xf32, #tpu.memory_space<vmem>>[vector<16xi32>], vector<16xf32>,
      %get3A_50 = arith.constant 112 : index
      %get3A_51 = tpu.vector_load %arg10[%get3A_50] {strides = array<i32>} : memref<128xi32, #tpu.memory_space<vmem>>, vector<16xi32>,
      tpu.vector_store_idx %arg12[%get3A_51], %broadcast_in_dim3A_5 {add = true} : memref<10240xf32, #tpu.memory_space<vmem>>[vector<16xi32>], vector<16xf32>,
    }
    %scan3A_12 = arith.constant 79 : i32
    %barrier3A_13 = arith.constant 0 : index
    tpu.barrier barrier_id(%barrier3A_13)
    %scan3A_14 = arith.constant 0 : i32
    %scan3A_15 = arith.constant 5 : i32
    %scan3A_16 = arith.addi %scan3A_14, %scan3A_15 : i32
    %scan3A_17 = arith.constant 1 : i32
    scf.for %scan3A_19 = %scan3A_14 to %scan3A_16 step %scan3A_17  : i32 {
      %mul3A_20 = arith.constant 1 : i32
      %mul3A_21 = arith.muli %scan3A_19, %mul3A_20 : i32
      %add3A_22 = arith.constant 0 : i32
      %add3A_23 = arith.addi %add3A_22, %mul3A_21 : i32
      %mul3A_24 = arith.constant 640 : i32
      %mul3A_25 = arith.muli %arg1, %mul3A_24 : i32
      %mul3A_26 = arith.constant 128 : i32
      %mul3A_27 = arith.muli %add3A_23, %mul3A_26 : i32
      %add3A_28 = arith.addi %mul3A_25, %mul3A_27 : i32
      "tpu.region"() ({
        %run_scoped3A = tpu.sem_alloc : memref<!tpu.dma_semaphore, #tpu.memory_space<semaphore_mem>>
        %dma_start3A = arith.constant 0 : i32
        %dma_start3A_32 = tpu.memref_slice %arg13[%add3A_28, %dma_start3A] : memref<10240x128xf32, #tpu.memory_space<vmem_shared>> -> memref<128x128xf32, #tpu.memory_space<vmem_shared>>
        %dma_start3A_33 = arith.constant 0 : i32
        %dma_start3A_34 = tpu.memref_slice %arg13[%add3A_28, %dma_start3A_33] : memref<10240x128xf32, #tpu.memory_space<vmem_shared>> -> memref<128x128xf32, #tpu.memory_space<vmem_shared>>
        tpu.enqueue_dma source(%dma_start3A_34 : memref<128x128xf32, #tpu.memory_space<vmem_shared>>) target(%arg11 : memref<128x128xf32, #tpu.memory_space<vmem>>) target_semaphore(%run_scoped3A : memref<!tpu.dma_semaphore, #tpu.memory_space<semaphore_mem>>)
        %dma_wait3A = arith.constant 0 : i32
        %dma_wait3A_35 = tpu.memref_slice %arg13[%add3A_28, %dma_wait3A] : memref<10240x128xf32, #tpu.memory_space<vmem_shared>> -> memref<128x128xf32, #tpu.memory_space<vmem_shared>>
        %dma_wait3A_36 = arith.constant 0 : i32
        %dma_wait3A_37 = tpu.memref_slice %arg13[%add3A_28, %dma_wait3A_36] : memref<10240x128xf32, #tpu.memory_space<vmem_shared>> -> memref<128x128xf32, #tpu.memory_space<vmem_shared>>
        tpu.wait_dma2 semaphore(%run_scoped3A : memref<!tpu.dma_semaphore, #tpu.memory_space<semaphore_mem>>) src(%dma_wait3A_37 : memref<128x128xf32, #tpu.memory_space<vmem_shared>>) dst(%arg11 : memref<128x128xf32, #tpu.memory_space<vmem>>)
        tpu.yield
      }) : () -> ()
      %mul3A_29 = arith.constant 10240 : i32
      %mul3A_30 = arith.muli %arg0, %mul3A_29 : i32
      %add3A_31 = arith.addi %mul3A_30, %add3A_28 : i32
      "tpu.region"() ({
        %run_scoped3A = tpu.sem_alloc : memref<!tpu.dma_semaphore, #tpu.memory_space<semaphore_mem>>
        %dma_start3A = arith.constant 0 : i32
        %dma_start3A_32 = tpu.memref_slice %arg7[%add3A_31, %dma_start3A] : memref<20480x128xf32, #tpu.memory_space<hbm>> -> memref<128x128xf32, #tpu.memory_space<hbm>>
        %dma_start3A_33 = arith.constant 0 : i32
        %dma_start3A_34 = tpu.memref_slice %arg7[%add3A_31, %dma_start3A_33] : memref<20480x128xf32, #tpu.memory_space<hbm>> -> memref<128x128xf32, #tpu.memory_space<hbm>>
        tpu.enqueue_dma source(%arg11 : memref<128x128xf32, #tpu.memory_space<vmem>>) target(%dma_start3A_34 : memref<128x128xf32, #tpu.memory_space<hbm>>) target_semaphore(%run_scoped3A : memref<!tpu.dma_semaphore, #tpu.memory_space<semaphore_mem>>)
        %dma_wait3A = arith.constant 0 : i32
        %dma_wait3A_35 = tpu.memref_slice %arg7[%add3A_31, %dma_wait3A] : memref<20480x128xf32, #tpu.memory_space<hbm>> -> memref<128x128xf32, #tpu.memory_space<hbm>>
        %dma_wait3A_36 = arith.constant 0 : i32
        %dma_wait3A_37 = tpu.memref_slice %arg7[%add3A_31, %dma_wait3A_36] : memref<20480x128xf32, #tpu.memory_space<hbm>> -> memref<128x128xf32, #tpu.memory_space<hbm>>
        tpu.wait_dma2 semaphore(%run_scoped3A : memref<!tpu.dma_semaphore, #tpu.memory_space<semaphore_mem>>) src(%arg11 : memref<128x128xf32, #tpu.memory_space<vmem>>) dst(%dma_wait3A_37 : memref<128x128xf32, #tpu.memory_space<hbm>>)
        tpu.yield
      }) : () -> ()
    }
    %scan3A_18 = arith.constant 5 : i32
    "tpu.region"() ({
      %run_scoped3A = tpu.sem_alloc : memref<!tpu.dma_semaphore, #tpu.memory_space<semaphore_mem>>
      %dma_start3A = arith.constant 0 : i32
      %dma_start3A_19 = tpu.memref_slice %arg8[%add3A, %dma_start3A] : memref<32x10240xf32, #tpu.memory_space<hbm>> -> memref<1x10240xf32, #tpu.memory_space<hbm>>
      %dma_start3A_20 = tpu.memref_squeeze %dma_start3A_19 : memref<1x10240xf32, #tpu.memory_space<hbm>> -> memref<10240xf32, #tpu.memory_space<hbm>>
      %dma_start3A_21 = arith.constant 0 : i32
      %dma_start3A_22 = tpu.memref_slice %arg8[%add3A, %dma_start3A_21] : memref<32x10240xf32, #tpu.memory_space<hbm>> -> memref<1x10240xf32, #tpu.memory_space<hbm>>
      %dma_start3A_23 = tpu.memref_squeeze %dma_start3A_22 : memref<1x10240xf32, #tpu.memory_space<hbm>> -> memref<10240xf32, #tpu.memory_space<hbm>>
      tpu.enqueue_dma source(%arg12 : memref<10240xf32, #tpu.memory_space<vmem>>) target(%dma_start3A_23 : memref<10240xf32, #tpu.memory_space<hbm>>) target_semaphore(%run_scoped3A : memref<!tpu.dma_semaphore, #tpu.memory_space<semaphore_mem>>)
      %dma_wait3A = arith.constant 0 : i32
      %dma_wait3A_24 = tpu.memref_slice %arg8[%add3A, %dma_wait3A] : memref<32x10240xf32, #tpu.memory_space<hbm>> -> memref<1x10240xf32, #tpu.memory_space<hbm>>
      %dma_wait3A_25 = tpu.memref_squeeze %dma_wait3A_24 : memref<1x10240xf32, #tpu.memory_space<hbm>> -> memref<10240xf32, #tpu.memory_space<hbm>>
      %dma_wait3A_26 = arith.constant 0 : i32
      %dma_wait3A_27 = tpu.memref_slice %arg8[%add3A, %dma_wait3A_26] : memref<32x10240xf32, #tpu.memory_space<hbm>> -> memref<1x10240xf32, #tpu.memory_space<hbm>>
      %dma_wait3A_28 = tpu.memref_squeeze %dma_wait3A_27 : memref<1x10240xf32, #tpu.memory_space<hbm>> -> memref<10240xf32, #tpu.memory_space<hbm>>
      tpu.wait_dma2 semaphore(%run_scoped3A : memref<!tpu.dma_semaphore, #tpu.memory_space<semaphore_mem>>) src(%arg12 : memref<10240xf32, #tpu.memory_space<vmem>>) dst(%dma_wait3A_28 : memref<10240xf32, #tpu.memory_space<hbm>>)
      tpu.yield
    }) : () -> ()
    return
  }
}

#map = affine_map<(d0, d1) -> (0, 0)>
#map1 = affine_map<(d0, d1) -> (0)>
module attributes {stable_mosaic.version = 14 : i64} {
  func.func @_sc_segsum(%arg0: i32, %arg1: i32, %arg2: memref<10000x128xf32, #tpu.memory_space<hbm>>, %arg3: memref<323584xi32, #tpu.memory_space<hbm>>, %arg4: memref<323584xi32, #tpu.memory_space<hbm>>, %arg5: memref<128x128xf32, #tpu.memory_space<hbm>>, %arg6: memref<10240xf32, #tpu.memory_space<hbm>>, %arg7: memref<20480x128xf32, #tpu.memory_space<hbm>>, %arg8: memref<32x10240xf32, #tpu.memory_space<hbm>>, %arg9: memref<10112xi32, #tpu.memory_space<vmem>>, %arg10: memref<128xi32, #tpu.memory_space<vmem>>, %arg11: memref<128x128xf32, #tpu.memory_space<vmem>>, %arg12: memref<10240xf32, #tpu.memory_space<vmem>>, %arg13: memref<10240x128xf32, #tpu.memory_space<vmem_shared>>, %arg14: memref<!tpu.dma_semaphore, #tpu.memory_space<semaphore_mem>>) attributes {dimension_semantics = [#tpu.dimension_semantics<core_parallel>, #tpu.dimension_semantics<subcore_parallel>], iteration_bounds = array<i64: 2, 16>, scalar_prefetch = 0 : i64, scratch_operands = 6 : i64, tpu.core_type = #tpu.core_type<sc_vector_subcore>, window_params = [{transform_indices = #map}, {transform_indices = #map1}, {transform_indices = #map1}, {transform_indices = #map}, {transform_indices = #map1}, {transform_indices = #map}, {transform_indices = #map}]} {
    %mul3A = arith.constant 2 : i32
    %mul3A_0 = arith.muli %arg1, %mul3A : i32
    %add3A = arith.addi %mul3A_0, %arg0 : i32
    "tpu.region"() ({
      %run_scoped3A = tpu.sem_alloc : memref<!tpu.dma_semaphore, #tpu.memory_space<semaphore_mem>>
      tpu.enqueue_dma source(%arg5 : memref<128x128xf32, #tpu.memory_space<hbm>>) target(%arg11 : memref<128x128xf32, #tpu.memory_space<vmem>>) target_semaphore(%run_scoped3A : memref<!tpu.dma_semaphore, #tpu.memory_space<semaphore_mem>>)
      tpu.wait_dma2 semaphore(%run_scoped3A : memref<!tpu.dma_semaphore, #tpu.memory_space<semaphore_mem>>) src(%arg5 : memref<128x128xf32, #tpu.memory_space<hbm>>) dst(%arg11 : memref<128x128xf32, #tpu.memory_space<vmem>>)
      tpu.yield
    }) : () -> ()
    "tpu.region"() ({
      %run_scoped3A = tpu.sem_alloc : memref<!tpu.dma_semaphore, #tpu.memory_space<semaphore_mem>>
      tpu.enqueue_dma source(%arg6 : memref<10240xf32, #tpu.memory_space<hbm>>) target(%arg12 : memref<10240xf32, #tpu.memory_space<vmem>>) target_semaphore(%run_scoped3A : memref<!tpu.dma_semaphore, #tpu.memory_space<semaphore_mem>>)
      tpu.wait_dma2 semaphore(%run_scoped3A : memref<!tpu.dma_semaphore, #tpu.memory_space<semaphore_mem>>) src(%arg6 : memref<10240xf32, #tpu.memory_space<hbm>>) dst(%arg12 : memref<10240xf32, #tpu.memory_space<vmem>>)
      tpu.yield
    }) : () -> ()
    %scan3A = arith.constant 0 : i32
    %scan3A_1 = arith.constant 5 : i32
    %scan3A_2 = arith.addi %scan3A, %scan3A_1 : i32
    %scan3A_3 = arith.constant 1 : i32
    scf.for %scan3A_19 = %scan3A to %scan3A_2 step %scan3A_3  : i32 {
      %mul3A_20 = arith.constant 1 : i32
      %mul3A_21 = arith.muli %scan3A_19, %mul3A_20 : i32
      %add3A_22 = arith.constant 0 : i32
      %add3A_23 = arith.addi %add3A_22, %mul3A_21 : i32
      %mul3A_24 = arith.constant 640 : i32
      %mul3A_25 = arith.muli %arg1, %mul3A_24 : i32
      %mul3A_26 = arith.constant 128 : i32
      %mul3A_27 = arith.muli %add3A_23, %mul3A_26 : i32
      %add3A_28 = arith.addi %mul3A_25, %mul3A_27 : i32
      "tpu.region"() ({
        %run_scoped3A = tpu.sem_alloc : memref<!tpu.dma_semaphore, #tpu.memory_space<semaphore_mem>>
        %dma_start3A = arith.constant 0 : i32
        %dma_start3A_29 = tpu.memref_slice %arg13[%add3A_28, %dma_start3A] : memref<10240x128xf32, #tpu.memory_space<vmem_shared>> -> memref<128x128xf32, #tpu.memory_space<vmem_shared>>
        %dma_start3A_30 = arith.constant 0 : i32
        %dma_start3A_31 = tpu.memref_slice %arg13[%add3A_28, %dma_start3A_30] : memref<10240x128xf32, #tpu.memory_space<vmem_shared>> -> memref<128x128xf32, #tpu.memory_space<vmem_shared>>
        tpu.enqueue_dma source(%arg11 : memref<128x128xf32, #tpu.memory_space<vmem>>) target(%dma_start3A_31 : memref<128x128xf32, #tpu.memory_space<vmem_shared>>) target_semaphore(%run_scoped3A : memref<!tpu.dma_semaphore, #tpu.memory_space<semaphore_mem>>)
        %dma_wait3A = arith.constant 0 : i32
        %dma_wait3A_32 = tpu.memref_slice %arg13[%add3A_28, %dma_wait3A] : memref<10240x128xf32, #tpu.memory_space<vmem_shared>> -> memref<128x128xf32, #tpu.memory_space<vmem_shared>>
        %dma_wait3A_33 = arith.constant 0 : i32
        %dma_wait3A_34 = tpu.memref_slice %arg13[%add3A_28, %dma_wait3A_33] : memref<10240x128xf32, #tpu.memory_space<vmem_shared>> -> memref<128x128xf32, #tpu.memory_space<vmem_shared>>
        tpu.wait_dma2 semaphore(%run_scoped3A : memref<!tpu.dma_semaphore, #tpu.memory_space<semaphore_mem>>) src(%arg11 : memref<128x128xf32, #tpu.memory_space<vmem>>) dst(%dma_wait3A_34 : memref<128x128xf32, #tpu.memory_space<vmem_shared>>)
        tpu.yield
      }) : () -> ()
    }
    %scan3A_4 = arith.constant 5 : i32
    %barrier3A = arith.constant 0 : index
    tpu.barrier barrier_id(%barrier3A)
    %broadcast_in_dim3A = arith.constant 1.000000e+00 : f32
    %broadcast_in_dim3A_5 = vector.broadcast %broadcast_in_dim3A : f32 to vector<16xf32>
    %mul3A_6 = arith.constant 10112 : i32
    %mul3A_7 = arith.muli %add3A, %mul3A_6 : i32
    "tpu.region"() ({
      %run_scoped3A = tpu.sem_alloc : memref<!tpu.dma_semaphore, #tpu.memory_space<semaphore_mem>>
      %dma_start3A = tpu.memref_slice %arg3[%mul3A_7] : memref<323584xi32, #tpu.memory_space<hbm>> -> memref<10112xi32, #tpu.memory_space<hbm>>
      %dma_start3A_19 = tpu.memref_slice %arg3[%mul3A_7] : memref<323584xi32, #tpu.memory_space<hbm>> -> memref<10112xi32, #tpu.memory_space<hbm>>
      tpu.enqueue_dma source(%dma_start3A_19 : memref<10112xi32, #tpu.memory_space<hbm>>) target(%arg9 : memref<10112xi32, #tpu.memory_space<vmem>>) target_semaphore(%run_scoped3A : memref<!tpu.dma_semaphore, #tpu.memory_space<semaphore_mem>>)
      %dma_wait3A = tpu.memref_slice %arg3[%mul3A_7] : memref<323584xi32, #tpu.memory_space<hbm>> -> memref<10112xi32, #tpu.memory_space<hbm>>
      %dma_wait3A_20 = tpu.memref_slice %arg3[%mul3A_7] : memref<323584xi32, #tpu.memory_space<hbm>> -> memref<10112xi32, #tpu.memory_space<hbm>>
      tpu.wait_dma2 semaphore(%run_scoped3A : memref<!tpu.dma_semaphore, #tpu.memory_space<semaphore_mem>>) src(%dma_wait3A_20 : memref<10112xi32, #tpu.memory_space<hbm>>) dst(%arg9 : memref<10112xi32, #tpu.memory_space<vmem>>)
      tpu.yield
    }) : () -> ()
    %scan3A_8 = arith.constant 0 : i32
    %scan3A_9 = arith.constant 79 : i32
    %scan3A_10 = arith.addi %scan3A_8, %scan3A_9 : i32
    %scan3A_11 = arith.constant 1 : i32
    scf.for %scan3A_19 = %scan3A_8 to %scan3A_10 step %scan3A_11  : i32 {
      %mul3A_20 = arith.constant 1 : i32
      %mul3A_21 = arith.muli %scan3A_19, %mul3A_20 : i32
      %add3A_22 = arith.constant 0 : i32
      %add3A_23 = arith.addi %add3A_22, %mul3A_21 : i32
      %mul3A_24 = arith.constant 128 : i32
      %mul3A_25 = arith.muli %add3A_23, %mul3A_24 : i32
      %dma_start3A = tpu.memref_slice %arg9[%mul3A_25] : memref<10112xi32, #tpu.memory_space<vmem>> -> memref<128xi32, #tpu.memory_space<vmem>>
      %dma_start3A_26 = arith.constant 0 : i32
      %dma_start3A_27 = arith.constant 0 : i32
      %dma_start3A_28 = tpu.memref_slice %arg2[%dma_start3A_26, %dma_start3A_27] : memref<10000x128xf32, #tpu.memory_space<hbm>> -> memref<10000x128xf32, #tpu.memory_space<hbm>>
      tpu.enqueue_indirect_dma source(%dma_start3A_28 : memref<10000x128xf32, #tpu.memory_space<hbm>>) target(%arg11 : memref<128x128xf32, #tpu.memory_space<vmem>>) offsets(%dma_start3A : memref<128xi32, #tpu.memory_space<vmem>>) semaphore(%arg14 : memref<!tpu.dma_semaphore, #tpu.memory_space<semaphore_mem>>)
      %mul3A_29 = arith.constant 10112 : i32
      %mul3A_30 = arith.muli %add3A, %mul3A_29 : i32
      %mul3A_31 = arith.constant 128 : i32
      %mul3A_32 = arith.muli %add3A_23, %mul3A_31 : i32
      %add3A_33 = arith.addi %mul3A_30, %mul3A_32 : i32
      "tpu.region"() ({
        %run_scoped3A = tpu.sem_alloc : memref<!tpu.dma_semaphore, #tpu.memory_space<semaphore_mem>>
        %dma_start3A_52 = tpu.memref_slice %arg4[%add3A_33] : memref<323584xi32, #tpu.memory_space<hbm>> -> memref<128xi32, #tpu.memory_space<hbm>>
        %dma_start3A_53 = tpu.memref_slice %arg4[%add3A_33] : memref<323584xi32, #tpu.memory_space<hbm>> -> memref<128xi32, #tpu.memory_space<hbm>>
        tpu.enqueue_dma source(%dma_start3A_53 : memref<128xi32, #tpu.memory_space<hbm>>) target(%arg10 : memref<128xi32, #tpu.memory_space<vmem>>) target_semaphore(%run_scoped3A : memref<!tpu.dma_semaphore, #tpu.memory_space<semaphore_mem>>)
        %dma_wait3A_54 = tpu.memref_slice %arg4[%add3A_33] : memref<323584xi32, #tpu.memory_space<hbm>> -> memref<128xi32, #tpu.memory_space<hbm>>
        %dma_wait3A_55 = tpu.memref_slice %arg4[%add3A_33] : memref<323584xi32, #tpu.memory_space<hbm>> -> memref<128xi32, #tpu.memory_space<hbm>>
        tpu.wait_dma2 semaphore(%run_scoped3A : memref<!tpu.dma_semaphore, #tpu.memory_space<semaphore_mem>>) src(%dma_wait3A_55 : memref<128xi32, #tpu.memory_space<hbm>>) dst(%arg10 : memref<128xi32, #tpu.memory_space<vmem>>)
        tpu.yield
      }) : () -> ()
      %dma_wait3A = tpu.memref_slice %arg9[%mul3A_25] : memref<10112xi32, #tpu.memory_space<vmem>> -> memref<128xi32, #tpu.memory_space<vmem>>
      %dma_wait3A_34 = arith.constant 0 : i32
      %dma_wait3A_35 = arith.constant 0 : i32
      %dma_wait3A_36 = tpu.memref_slice %arg2[%dma_wait3A_34, %dma_wait3A_35] : memref<10000x128xf32, #tpu.memory_space<hbm>> -> memref<10000x128xf32, #tpu.memory_space<hbm>>
      tpu.wait_indirect_dma semaphore(%arg14 : memref<!tpu.dma_semaphore, #tpu.memory_space<semaphore_mem>>) src(%dma_wait3A_36 : memref<10000x128xf32, #tpu.memory_space<hbm>>) dst(%arg11 : memref<128x128xf32, #tpu.memory_space<vmem>>)
      "tpu.region"() ({
        %run_scoped3A = tpu.sem_alloc : memref<!tpu.dma_semaphore, #tpu.memory_space<semaphore_mem>>
        %dma_start3A_52 = arith.constant 0 : i32
        %dma_start3A_53 = arith.constant 0 : i32
        %dma_start3A_54 = tpu.memref_slice %arg13[%dma_start3A_52, %dma_start3A_53] : memref<10240x128xf32, #tpu.memory_space<vmem_shared>> -> memref<10240x128xf32, #tpu.memory_space<vmem_shared>>
        tpu.enqueue_indirect_dma source(%arg11 : memref<128x128xf32, #tpu.memory_space<vmem>>) target(%dma_start3A_54 : memref<10240x128xf32, #tpu.memory_space<vmem_shared>>) offsets(%arg10 : memref<128xi32, #tpu.memory_space<vmem>>) semaphore(%run_scoped3A : memref<!tpu.dma_semaphore, #tpu.memory_space<semaphore_mem>>) {add = true}
        %dma_wait3A_55 = arith.constant 0 : i32
        %dma_wait3A_56 = arith.constant 0 : i32
        %dma_wait3A_57 = tpu.memref_slice %arg13[%dma_wait3A_55, %dma_wait3A_56] : memref<10240x128xf32, #tpu.memory_space<vmem_shared>> -> memref<10240x128xf32, #tpu.memory_space<vmem_shared>>
        tpu.wait_indirect_dma semaphore(%run_scoped3A : memref<!tpu.dma_semaphore, #tpu.memory_space<semaphore_mem>>) src(%arg11 : memref<128x128xf32, #tpu.memory_space<vmem>>) dst(%dma_wait3A_57 : memref<10240x128xf32, #tpu.memory_space<vmem_shared>>)
        tpu.yield
      }) : () -> ()
      %get3A = arith.constant 0 : index
      %get3A_37 = tpu.vector_load %arg10[%get3A] {strides = array<i32>} : memref<128xi32, #tpu.memory_space<vmem>>, vector<16xi32>,
      tpu.vector_store_idx %arg12[%get3A_37], %broadcast_in_dim3A_5 {add = true} : memref<10240xf32, #tpu.memory_space<vmem>>[vector<16xi32>], vector<16xf32>,
      %get3A_38 = arith.constant 16 : index
      %get3A_39 = tpu.vector_load %arg10[%get3A_38] {strides = array<i32>} : memref<128xi32, #tpu.memory_space<vmem>>, vector<16xi32>,
      tpu.vector_store_idx %arg12[%get3A_39], %broadcast_in_dim3A_5 {add = true} : memref<10240xf32, #tpu.memory_space<vmem>>[vector<16xi32>], vector<16xf32>,
      %get3A_40 = arith.constant 32 : index
      %get3A_41 = tpu.vector_load %arg10[%get3A_40] {strides = array<i32>} : memref<128xi32, #tpu.memory_space<vmem>>, vector<16xi32>,
      tpu.vector_store_idx %arg12[%get3A_41], %broadcast_in_dim3A_5 {add = true} : memref<10240xf32, #tpu.memory_space<vmem>>[vector<16xi32>], vector<16xf32>,
      %get3A_42 = arith.constant 48 : index
      %get3A_43 = tpu.vector_load %arg10[%get3A_42] {strides = array<i32>} : memref<128xi32, #tpu.memory_space<vmem>>, vector<16xi32>,
      tpu.vector_store_idx %arg12[%get3A_43], %broadcast_in_dim3A_5 {add = true} : memref<10240xf32, #tpu.memory_space<vmem>>[vector<16xi32>], vector<16xf32>,
      %get3A_44 = arith.constant 64 : index
      %get3A_45 = tpu.vector_load %arg10[%get3A_44] {strides = array<i32>} : memref<128xi32, #tpu.memory_space<vmem>>, vector<16xi32>,
      tpu.vector_store_idx %arg12[%get3A_45], %broadcast_in_dim3A_5 {add = true} : memref<10240xf32, #tpu.memory_space<vmem>>[vector<16xi32>], vector<16xf32>,
      %get3A_46 = arith.constant 80 : index
      %get3A_47 = tpu.vector_load %arg10[%get3A_46] {strides = array<i32>} : memref<128xi32, #tpu.memory_space<vmem>>, vector<16xi32>,
      tpu.vector_store_idx %arg12[%get3A_47], %broadcast_in_dim3A_5 {add = true} : memref<10240xf32, #tpu.memory_space<vmem>>[vector<16xi32>], vector<16xf32>,
      %get3A_48 = arith.constant 96 : index
      %get3A_49 = tpu.vector_load %arg10[%get3A_48] {strides = array<i32>} : memref<128xi32, #tpu.memory_space<vmem>>, vector<16xi32>,
      tpu.vector_store_idx %arg12[%get3A_49], %broadcast_in_dim3A_5 {add = true} : memref<10240xf32, #tpu.memory_space<vmem>>[vector<16xi32>], vector<16xf32>,
      %get3A_50 = arith.constant 112 : index
      %get3A_51 = tpu.vector_load %arg10[%get3A_50] {strides = array<i32>} : memref<128xi32, #tpu.memory_space<vmem>>, vector<16xi32>,
      tpu.vector_store_idx %arg12[%get3A_51], %broadcast_in_dim3A_5 {add = true} : memref<10240xf32, #tpu.memory_space<vmem>>[vector<16xi32>], vector<16xf32>,
    }
    %scan3A_12 = arith.constant 79 : i32
    %barrier3A_13 = arith.constant 0 : index
    tpu.barrier barrier_id(%barrier3A_13)
    %scan3A_14 = arith.constant 0 : i32
    %scan3A_15 = arith.constant 5 : i32
    %scan3A_16 = arith.addi %scan3A_14, %scan3A_15 : i32
    %scan3A_17 = arith.constant 1 : i32
    scf.for %scan3A_19 = %scan3A_14 to %scan3A_16 step %scan3A_17  : i32 {
      %mul3A_20 = arith.constant 1 : i32
      %mul3A_21 = arith.muli %scan3A_19, %mul3A_20 : i32
      %add3A_22 = arith.constant 0 : i32
      %add3A_23 = arith.addi %add3A_22, %mul3A_21 : i32
      %mul3A_24 = arith.constant 640 : i32
      %mul3A_25 = arith.muli %arg1, %mul3A_24 : i32
      %mul3A_26 = arith.constant 128 : i32
      %mul3A_27 = arith.muli %add3A_23, %mul3A_26 : i32
      %add3A_28 = arith.addi %mul3A_25, %mul3A_27 : i32
      "tpu.region"() ({
        %run_scoped3A = tpu.sem_alloc : memref<!tpu.dma_semaphore, #tpu.memory_space<semaphore_mem>>
        %dma_start3A = arith.constant 0 : i32
        %dma_start3A_32 = tpu.memref_slice %arg13[%add3A_28, %dma_start3A] : memref<10240x128xf32, #tpu.memory_space<vmem_shared>> -> memref<128x128xf32, #tpu.memory_space<vmem_shared>>
        %dma_start3A_33 = arith.constant 0 : i32
        %dma_start3A_34 = tpu.memref_slice %arg13[%add3A_28, %dma_start3A_33] : memref<10240x128xf32, #tpu.memory_space<vmem_shared>> -> memref<128x128xf32, #tpu.memory_space<vmem_shared>>
        tpu.enqueue_dma source(%dma_start3A_34 : memref<128x128xf32, #tpu.memory_space<vmem_shared>>) target(%arg11 : memref<128x128xf32, #tpu.memory_space<vmem>>) target_semaphore(%run_scoped3A : memref<!tpu.dma_semaphore, #tpu.memory_space<semaphore_mem>>)
        %dma_wait3A = arith.constant 0 : i32
        %dma_wait3A_35 = tpu.memref_slice %arg13[%add3A_28, %dma_wait3A] : memref<10240x128xf32, #tpu.memory_space<vmem_shared>> -> memref<128x128xf32, #tpu.memory_space<vmem_shared>>
        %dma_wait3A_36 = arith.constant 0 : i32
        %dma_wait3A_37 = tpu.memref_slice %arg13[%add3A_28, %dma_wait3A_36] : memref<10240x128xf32, #tpu.memory_space<vmem_shared>> -> memref<128x128xf32, #tpu.memory_space<vmem_shared>>
        tpu.wait_dma2 semaphore(%run_scoped3A : memref<!tpu.dma_semaphore, #tpu.memory_space<semaphore_mem>>) src(%dma_wait3A_37 : memref<128x128xf32, #tpu.memory_space<vmem_shared>>) dst(%arg11 : memref<128x128xf32, #tpu.memory_space<vmem>>)
        tpu.yield
      }) : () -> ()
      %mul3A_29 = arith.constant 10240 : i32
      %mul3A_30 = arith.muli %arg0, %mul3A_29 : i32
      %add3A_31 = arith.addi %mul3A_30, %add3A_28 : i32
      "tpu.region"() ({
        %run_scoped3A = tpu.sem_alloc : memref<!tpu.dma_semaphore, #tpu.memory_space<semaphore_mem>>
        %dma_start3A = arith.constant 0 : i32
        %dma_start3A_32 = tpu.memref_slice %arg7[%add3A_31, %dma_start3A] : memref<20480x128xf32, #tpu.memory_space<hbm>> -> memref<128x128xf32, #tpu.memory_space<hbm>>
        %dma_start3A_33 = arith.constant 0 : i32
        %dma_start3A_34 = tpu.memref_slice %arg7[%add3A_31, %dma_start3A_33] : memref<20480x128xf32, #tpu.memory_space<hbm>> -> memref<128x128xf32, #tpu.memory_space<hbm>>
        tpu.enqueue_dma source(%arg11 : memref<128x128xf32, #tpu.memory_space<vmem>>) target(%dma_start3A_34 : memref<128x128xf32, #tpu.memory_space<hbm>>) target_semaphore(%run_scoped3A : memref<!tpu.dma_semaphore, #tpu.memory_space<semaphore_mem>>)
        %dma_wait3A = arith.constant 0 : i32
        %dma_wait3A_35 = tpu.memref_slice %arg7[%add3A_31, %dma_wait3A] : memref<20480x128xf32, #tpu.memory_space<hbm>> -> memref<128x128xf32, #tpu.memory_space<hbm>>
        %dma_wait3A_36 = arith.constant 0 : i32
        %dma_wait3A_37 = tpu.memref_slice %arg7[%add3A_31, %dma_wait3A_36] : memref<20480x128xf32, #tpu.memory_space<hbm>> -> memref<128x128xf32, #tpu.memory_space<hbm>>
        tpu.wait_dma2 semaphore(%run_scoped3A : memref<!tpu.dma_semaphore, #tpu.memory_space<semaphore_mem>>) src(%arg11 : memref<128x128xf32, #tpu.memory_space<vmem>>) dst(%dma_wait3A_37 : memref<128x128xf32, #tpu.memory_space<hbm>>)
        tpu.yield
      }) : () -> ()
    }
    %scan3A_18 = arith.constant 5 : i32
    "tpu.region"() ({
      %run_scoped3A = tpu.sem_alloc : memref<!tpu.dma_semaphore, #tpu.memory_space<semaphore_mem>>
      %dma_start3A = arith.constant 0 : i32
      %dma_start3A_19 = tpu.memref_slice %arg8[%add3A, %dma_start3A] : memref<32x10240xf32, #tpu.memory_space<hbm>> -> memref<1x10240xf32, #tpu.memory_space<hbm>>
      %dma_start3A_20 = tpu.memref_squeeze %dma_start3A_19 : memref<1x10240xf32, #tpu.memory_space<hbm>> -> memref<10240xf32, #tpu.memory_space<hbm>>
      %dma_start3A_21 = arith.constant 0 : i32
      %dma_start3A_22 = tpu.memref_slice %arg8[%add3A, %dma_start3A_21] : memref<32x10240xf32, #tpu.memory_space<hbm>> -> memref<1x10240xf32, #tpu.memory_space<hbm>>
      %dma_start3A_23 = tpu.memref_squeeze %dma_start3A_22 : memref<1x10240xf32, #tpu.memory_space<hbm>> -> memref<10240xf32, #tpu.memory_space<hbm>>
      tpu.enqueue_dma source(%arg12 : memref<10240xf32, #tpu.memory_space<vmem>>) target(%dma_start3A_23 : memref<10240xf32, #tpu.memory_space<hbm>>) target_semaphore(%run_scoped3A : memref<!tpu.dma_semaphore, #tpu.memory_space<semaphore_mem>>)
      %dma_wait3A = arith.constant 0 : i32
      %dma_wait3A_24 = tpu.memref_slice %arg8[%add3A, %dma_wait3A] : memref<32x10240xf32, #tpu.memory_space<hbm>> -> memref<1x10240xf32, #tpu.memory_space<hbm>>
      %dma_wait3A_25 = tpu.memref_squeeze %dma_wait3A_24 : memref<1x10240xf32, #tpu.memory_space<hbm>> -> memref<10240xf32, #tpu.memory_space<hbm>>
      %dma_wait3A_26 = arith.constant 0 : i32
      %dma_wait3A_27 = tpu.memref_slice %arg8[%add3A, %dma_wait3A_26] : memref<32x10240xf32, #tpu.memory_space<hbm>> -> memref<1x10240xf32, #tpu.memory_space<hbm>>
      %dma_wait3A_28 = tpu.memref_squeeze %dma_wait3A_27 : memref<1x10240xf32, #tpu.memory_space<hbm>> -> memref<10240xf32, #tpu.memory_space<hbm>>
      tpu.wait_dma2 semaphore(%run_scoped3A : memref<!tpu.dma_semaphore, #tpu.memory_space<semaphore_mem>>) src(%arg12 : memref<10240xf32, #tpu.memory_space<vmem>>) dst(%dma_wait3A_28 : memref<10240xf32, #tpu.memory_space<hbm>>)
      tpu.yield
    }) : () -> ()
    return
  }
}

module attributes {stable_mosaic.version = 14 : i64} {
  func.func @_relu_body(%arg0: i32, %arg1: memref<1000x128xf32, #tpu.memory_space<vmem>>, %arg2: memref<1000x128xf32, #tpu.memory_space<vmem>>) attributes {dimension_semantics = [#tpu.dimension_semantics<arbitrary>], iteration_bounds = array<i64: 10>, scalar_prefetch = 0 : i64, scratch_operands = 0 : i64, tpu.core_type = #tpu.core_type<tc>, window_params = [{transform_indices = @transform_0, window_bounds = array<i64: 1000, 128>}, {transform_indices = @transform_1, window_bounds = array<i64: 1000, 128>}]} {
    %get3A = arith.constant 0 : index
    %get3A_0 = arith.constant 0 : index
    %get3A_1 = vector.load %arg1[%get3A, %get3A_0] : memref<1000x128xf32, #tpu.memory_space<vmem>>, vector<1000x128xf32>
    %max3A = arith.constant 0.000000e+00 : f32
    %max3A_2 = vector.broadcast %max3A : f32 to vector<1000x128xf32>
    %max3A_3 = arith.maximumf %get3A_1, %max3A_2 : vector<1000x128xf32>
    %swap3A = arith.constant 0 : index
    %swap3A_4 = arith.constant 0 : index
    %swap3A_5 = vector.load %arg2[%swap3A, %swap3A_4] : memref<1000x128xf32, #tpu.memory_space<vmem>>, vector<1000x128xf32>
    tpu.vector_store %arg2[%swap3A, %swap3A_4], %max3A_3 {strides = array<i32>} : memref<1000x128xf32, #tpu.memory_space<vmem>>, vector<1000x128xf32>,
    return
  }
  func.func @transform_0(%arg0: i32) -> (i32, i32) {
    %c0_i32 = arith.constant 0 : i32
    %c0_i32_0 = arith.constant 0 : i32
    return %arg0, %c0_i32 : i32, i32
  }
  func.func @transform_1(%arg0: i32) -> (i32, i32) {
    %c0_i32 = arith.constant 0 : i32
    %c0_i32_0 = arith.constant 0 : i32
    return %arg0, %c0_i32 : i32, i32
  }
}

module attributes {stable_mosaic.version = 14 : i64} {
  func.func @_combine_body(%arg0: i32, %arg1: memref<1000x128xf32, #tpu.memory_space<vmem>>, %arg2: memref<2x1000x128xf32, #tpu.memory_space<vmem>>, %arg3: memref<1000x32xf32, #tpu.memory_space<vmem>>, %arg4: memref<128x128xf32, #tpu.memory_space<vmem>>, %arg5: memref<128x128xf32, #tpu.memory_space<vmem>>, %arg6: memref<128xf32, #tpu.memory_space<vmem>>, %arg7: memref<1000x128xf32, #tpu.memory_space<vmem>>) attributes {dimension_semantics = [#tpu.dimension_semantics<arbitrary>], iteration_bounds = array<i64: 10>, scalar_prefetch = 0 : i64, scratch_operands = 0 : i64, tpu.core_type = #tpu.core_type<tc>, window_params = [{transform_indices = @transform_0, window_bounds = array<i64: 1000, 128>}, {transform_indices = @transform_1, window_bounds = array<i64: 2, 1000, 128>}, {transform_indices = @transform_2, window_bounds = array<i64: 1000, 32>}, {pipeline_mode = #tpu.pipeline_mode<synchronous>, transform_indices = @transform_3, window_bounds = array<i64: 128, 128>}, {pipeline_mode = #tpu.pipeline_mode<synchronous>, transform_indices = @transform_4, window_bounds = array<i64: 128, 128>}, {pipeline_mode = #tpu.pipeline_mode<synchronous>, transform_indices = @transform_5, window_bounds = array<i64: 128>}, {transform_indices = @transform_6, window_bounds = array<i64: 1000, 128>}]} {
    %get3A = arith.constant 0 : index
    %get3A_0 = arith.constant 0 : index
    %get3A_1 = arith.constant 0 : index
    %get3A_2 = vector.load %arg2[%get3A, %get3A_0, %get3A_1] : memref<2x1000x128xf32, #tpu.memory_space<vmem>>, vector<1x1000x128xf32>
    %get3A_3 = vector.shape_cast %get3A_2 : vector<1x1000x128xf32> to vector<1000x128xf32>
    %get3A_4 = arith.constant 1 : index
    %get3A_5 = arith.constant 0 : index
    %get3A_6 = arith.constant 0 : index
    %get3A_7 = vector.load %arg2[%get3A_4, %get3A_5, %get3A_6] : memref<2x1000x128xf32, #tpu.memory_space<vmem>>, vector<1x1000x128xf32>
    %get3A_8 = vector.shape_cast %get3A_7 : vector<1x1000x128xf32> to vector<1000x128xf32>
    %add3A = arith.addf %get3A_3, %get3A_8 : vector<1000x128xf32>
    %get3A_9 = arith.constant 0 : index
    %get3A_10 = arith.constant 0 : index
    %get3A_11 = vector.load %arg3[%get3A_9, %get3A_10] : memref<1000x32xf32, #tpu.memory_space<vmem>>, vector<1000x32xf32>
    %reduce_sum3A = arith.constant dense<0.000000e+00> : vector<1000xf32>
    %reduce_sum3A_12 = vector.multi_reduction <add>, %get3A_11, %reduce_sum3A [1] : vector<1000x32xf32> to vector<1000xf32>
    %broadcast_in_dim3A = vector.shape_cast %reduce_sum3A_12 : vector<1000xf32> to vector<1000x1xf32>
    %max3A = arith.constant 1.000000e+00 : f32
    %max3A_13 = vector.broadcast %max3A : f32 to vector<1000x1xf32>
    %max3A_14 = arith.maximumf %broadcast_in_dim3A, %max3A_13 : vector<1000x1xf32>
    %div3A = vector.broadcast %max3A_14 : vector<1000x1xf32> to vector<1000x128xf32>
    %div3A_15 = arith.divf %add3A, %div3A : vector<1000x128xf32>
    %get3A_16 = arith.constant 0 : index
    %get3A_17 = arith.constant 0 : index
    %get3A_18 = vector.load %arg1[%get3A_16, %get3A_17] : memref<1000x128xf32, #tpu.memory_space<vmem>>, vector<1000x128xf32>
    %get3A_19 = arith.constant 0 : index
    %get3A_20 = arith.constant 0 : index
    %get3A_21 = vector.load %arg4[%get3A_19, %get3A_20] : memref<128x128xf32, #tpu.memory_space<vmem>>, vector<128x128xf32>
    %dot_general3A = arith.constant dense<0.000000e+00> : vector<1000x128xf32>
    %dot_general3A_22 = tpu.matmul %get3A_18, %get3A_21, %dot_general3A {dimension_numbers = #tpu.dot_dimension_numbers<[1], [0], [0], [1], [0, 0, 1, 1], [], []>, transpose_lhs_hint = false} : vector<1000x128xf32>, vector<128x128xf32>, vector<1000x128xf32> -> vector<1000x128xf32>
    %get3A_23 = arith.constant 0 : index
    %get3A_24 = arith.constant 0 : index
    %get3A_25 = vector.load %arg5[%get3A_23, %get3A_24] : memref<128x128xf32, #tpu.memory_space<vmem>>, vector<128x128xf32>
    %dot_general3A_26 = arith.constant dense<0.000000e+00> : vector<1000x128xf32>
    %dot_general3A_27 = tpu.matmul %div3A_15, %get3A_25, %dot_general3A_26 {dimension_numbers = #tpu.dot_dimension_numbers<[1], [0], [0], [1], [0, 0, 1, 1], [], []>, transpose_lhs_hint = false} : vector<1000x128xf32>, vector<128x128xf32>, vector<1000x128xf32> -> vector<1000x128xf32>
    %add3A_28 = arith.addf %dot_general3A_22, %dot_general3A_27 : vector<1000x128xf32>
    %get3A_29 = arith.constant 0 : index
    %get3A_30 = vector.load %arg6[%get3A_29] : memref<128xf32, #tpu.memory_space<vmem>>, vector<128xf32>
    %broadcast_in_dim3A_31 = vector.shape_cast %get3A_30 : vector<128xf32> to vector<1x128xf32>
    %add3A_32 = vector.broadcast %broadcast_in_dim3A_31 : vector<1x128xf32> to vector<1000x128xf32>
    %add3A_33 = arith.addf %add3A_28, %add3A_32 : vector<1000x128xf32>
    %max3A_34 = arith.constant 0.000000e+00 : f32
    %max3A_35 = vector.broadcast %max3A_34 : f32 to vector<1000x128xf32>
    %max3A_36 = arith.maximumf %add3A_33, %max3A_35 : vector<1000x128xf32>
    %swap3A = arith.constant 0 : index
    %swap3A_37 = arith.constant 0 : index
    %swap3A_38 = vector.load %arg7[%swap3A, %swap3A_37] : memref<1000x128xf32, #tpu.memory_space<vmem>>, vector<1000x128xf32>
    tpu.vector_store %arg7[%swap3A, %swap3A_37], %max3A_36 {strides = array<i32>} : memref<1000x128xf32, #tpu.memory_space<vmem>>, vector<1000x128xf32>,
    return
  }
  func.func @transform_0(%arg0: i32) -> (i32, i32) {
    %c0_i32 = arith.constant 0 : i32
    %c0_i32_0 = arith.constant 0 : i32
    return %arg0, %c0_i32 : i32, i32
  }
  func.func @transform_1(%arg0: i32) -> (i32, i32, i32) {
    %c0_i32 = arith.constant 0 : i32
    %c0_i32_0 = arith.constant 0 : i32
    %c0_i32_1 = arith.constant 0 : i32
    return %c0_i32, %arg0, %c0_i32_0 : i32, i32, i32
  }
  func.func @transform_2(%arg0: i32) -> (i32, i32) {
    %c0_i32 = arith.constant 0 : i32
    %c0_i32_0 = arith.constant 0 : i32
    return %arg0, %c0_i32 : i32, i32
  }
  func.func @transform_3(%arg0: i32) -> (i32, i32) {
    %c0_i32 = arith.constant 0 : i32
    %c0_i32_0 = arith.constant 0 : i32
    %c0_i32_1 = arith.constant 0 : i32
    return %c0_i32, %c0_i32_0 : i32, i32
  }
  func.func @transform_4(%arg0: i32) -> (i32, i32) {
    %c0_i32 = arith.constant 0 : i32
    %c0_i32_0 = arith.constant 0 : i32
    %c0_i32_1 = arith.constant 0 : i32
    return %c0_i32, %c0_i32_0 : i32, i32
  }
  func.func @transform_5(%arg0: i32) -> i32 {
    %c0_i32 = arith.constant 0 : i32
    %c0_i32_0 = arith.constant 0 : i32
    return %c0_i32 : i32
  }
  func.func @transform_6(%arg0: i32) -> (i32, i32) {
    %c0_i32 = arith.constant 0 : i32
    %c0_i32_0 = arith.constant 0 : i32
    return %arg0, %c0_i32 : i32, i32
  }
}

module attributes {stable_mosaic.version = 14 : i64} {
  func.func @_combine_body(%arg0: i32, %arg1: memref<1000x128xf32, #tpu.memory_space<vmem>>, %arg2: memref<2x1000x128xf32, #tpu.memory_space<vmem>>, %arg3: memref<1000x32xf32, #tpu.memory_space<vmem>>, %arg4: memref<128x128xf32, #tpu.memory_space<vmem>>, %arg5: memref<128x128xf32, #tpu.memory_space<vmem>>, %arg6: memref<128xf32, #tpu.memory_space<vmem>>, %arg7: memref<1000x128xf32, #tpu.memory_space<vmem>>) attributes {dimension_semantics = [#tpu.dimension_semantics<arbitrary>], iteration_bounds = array<i64: 10>, scalar_prefetch = 0 : i64, scratch_operands = 0 : i64, tpu.core_type = #tpu.core_type<tc>, window_params = [{transform_indices = @transform_0, window_bounds = array<i64: 1000, 128>}, {transform_indices = @transform_1, window_bounds = array<i64: 2, 1000, 128>}, {transform_indices = @transform_2, window_bounds = array<i64: 1000, 32>}, {pipeline_mode = #tpu.pipeline_mode<synchronous>, transform_indices = @transform_3, window_bounds = array<i64: 128, 128>}, {pipeline_mode = #tpu.pipeline_mode<synchronous>, transform_indices = @transform_4, window_bounds = array<i64: 128, 128>}, {pipeline_mode = #tpu.pipeline_mode<synchronous>, transform_indices = @transform_5, window_bounds = array<i64: 128>}, {transform_indices = @transform_6, window_bounds = array<i64: 1000, 128>}]} {
    %get3A = arith.constant 0 : index
    %get3A_0 = arith.constant 0 : index
    %get3A_1 = arith.constant 0 : index
    %get3A_2 = vector.load %arg2[%get3A, %get3A_0, %get3A_1] : memref<2x1000x128xf32, #tpu.memory_space<vmem>>, vector<1x1000x128xf32>
    %get3A_3 = vector.shape_cast %get3A_2 : vector<1x1000x128xf32> to vector<1000x128xf32>
    %get3A_4 = arith.constant 1 : index
    %get3A_5 = arith.constant 0 : index
    %get3A_6 = arith.constant 0 : index
    %get3A_7 = vector.load %arg2[%get3A_4, %get3A_5, %get3A_6] : memref<2x1000x128xf32, #tpu.memory_space<vmem>>, vector<1x1000x128xf32>
    %get3A_8 = vector.shape_cast %get3A_7 : vector<1x1000x128xf32> to vector<1000x128xf32>
    %add3A = arith.addf %get3A_3, %get3A_8 : vector<1000x128xf32>
    %get3A_9 = arith.constant 0 : index
    %get3A_10 = arith.constant 0 : index
    %get3A_11 = vector.load %arg3[%get3A_9, %get3A_10] : memref<1000x32xf32, #tpu.memory_space<vmem>>, vector<1000x32xf32>
    %reduce_sum3A = arith.constant dense<0.000000e+00> : vector<1000xf32>
    %reduce_sum3A_12 = vector.multi_reduction <add>, %get3A_11, %reduce_sum3A [1] : vector<1000x32xf32> to vector<1000xf32>
    %broadcast_in_dim3A = vector.shape_cast %reduce_sum3A_12 : vector<1000xf32> to vector<1000x1xf32>
    %max3A = arith.constant 1.000000e+00 : f32
    %max3A_13 = vector.broadcast %max3A : f32 to vector<1000x1xf32>
    %max3A_14 = arith.maximumf %broadcast_in_dim3A, %max3A_13 : vector<1000x1xf32>
    %div3A = vector.broadcast %max3A_14 : vector<1000x1xf32> to vector<1000x128xf32>
    %div3A_15 = arith.divf %add3A, %div3A : vector<1000x128xf32>
    %get3A_16 = arith.constant 0 : index
    %get3A_17 = arith.constant 0 : index
    %get3A_18 = vector.load %arg1[%get3A_16, %get3A_17] : memref<1000x128xf32, #tpu.memory_space<vmem>>, vector<1000x128xf32>
    %get3A_19 = arith.constant 0 : index
    %get3A_20 = arith.constant 0 : index
    %get3A_21 = vector.load %arg4[%get3A_19, %get3A_20] : memref<128x128xf32, #tpu.memory_space<vmem>>, vector<128x128xf32>
    %dot_general3A = arith.constant dense<0.000000e+00> : vector<1000x128xf32>
    %dot_general3A_22 = tpu.matmul %get3A_18, %get3A_21, %dot_general3A {dimension_numbers = #tpu.dot_dimension_numbers<[1], [0], [0], [1], [0, 0, 1, 1], [], []>, transpose_lhs_hint = false} : vector<1000x128xf32>, vector<128x128xf32>, vector<1000x128xf32> -> vector<1000x128xf32>
    %get3A_23 = arith.constant 0 : index
    %get3A_24 = arith.constant 0 : index
    %get3A_25 = vector.load %arg5[%get3A_23, %get3A_24] : memref<128x128xf32, #tpu.memory_space<vmem>>, vector<128x128xf32>
    %dot_general3A_26 = arith.constant dense<0.000000e+00> : vector<1000x128xf32>
    %dot_general3A_27 = tpu.matmul %div3A_15, %get3A_25, %dot_general3A_26 {dimension_numbers = #tpu.dot_dimension_numbers<[1], [0], [0], [1], [0, 0, 1, 1], [], []>, transpose_lhs_hint = false} : vector<1000x128xf32>, vector<128x128xf32>, vector<1000x128xf32> -> vector<1000x128xf32>
    %add3A_28 = arith.addf %dot_general3A_22, %dot_general3A_27 : vector<1000x128xf32>
    %get3A_29 = arith.constant 0 : index
    %get3A_30 = vector.load %arg6[%get3A_29] : memref<128xf32, #tpu.memory_space<vmem>>, vector<128xf32>
    %broadcast_in_dim3A_31 = vector.shape_cast %get3A_30 : vector<128xf32> to vector<1x128xf32>
    %add3A_32 = vector.broadcast %broadcast_in_dim3A_31 : vector<1x128xf32> to vector<1000x128xf32>
    %add3A_33 = arith.addf %add3A_28, %add3A_32 : vector<1000x128xf32>
    %swap3A = arith.constant 0 : index
    %swap3A_34 = arith.constant 0 : index
    %swap3A_35 = vector.load %arg7[%swap3A, %swap3A_34] : memref<1000x128xf32, #tpu.memory_space<vmem>>, vector<1000x128xf32>
    tpu.vector_store %arg7[%swap3A, %swap3A_34], %add3A_33 {strides = array<i32>} : memref<1000x128xf32, #tpu.memory_space<vmem>>, vector<1000x128xf32>,
    return
  }
  func.func @transform_0(%arg0: i32) -> (i32, i32) {
    %c0_i32 = arith.constant 0 : i32
    %c0_i32_0 = arith.constant 0 : i32
    return %arg0, %c0_i32 : i32, i32
  }
  func.func @transform_1(%arg0: i32) -> (i32, i32, i32) {
    %c0_i32 = arith.constant 0 : i32
    %c0_i32_0 = arith.constant 0 : i32
    %c0_i32_1 = arith.constant 0 : i32
    return %c0_i32, %arg0, %c0_i32_0 : i32, i32, i32
  }
  func.func @transform_2(%arg0: i32) -> (i32, i32) {
    %c0_i32 = arith.constant 0 : i32
    %c0_i32_0 = arith.constant 0 : i32
    return %arg0, %c0_i32 : i32, i32
  }
  func.func @transform_3(%arg0: i32) -> (i32, i32) {
    %c0_i32 = arith.constant 0 : i32
    %c0_i32_0 = arith.constant 0 : i32
    %c0_i32_1 = arith.constant 0 : i32
    return %c0_i32, %c0_i32_0 : i32, i32
  }
  func.func @transform_4(%arg0: i32) -> (i32, i32) {
    %c0_i32 = arith.constant 0 : i32
    %c0_i32_0 = arith.constant 0 : i32
    %c0_i32_1 = arith.constant 0 : i32
    return %c0_i32, %c0_i32_0 : i32, i32
  }
  func.func @transform_5(%arg0: i32) -> i32 {
    %c0_i32 = arith.constant 0 : i32
    %c0_i32_0 = arith.constant 0 : i32
    return %c0_i32 : i32
  }
  func.func @transform_6(%arg0: i32) -> (i32, i32) {
    %c0_i32 = arith.constant 0 : i32
    %c0_i32_0 = arith.constant 0 : i32
    return %arg0, %c0_i32 : i32, i32
  }
}

</mosaic_0001>

<sc_bundles>
// kernel: kernel.10.cloned.1.call-start
scs
__scs_entry_jumppad:
0x0: {  	(pc) =	sbr.rel $0x88, $3  }
0x1: {  	(tag) =	ssettag $0x0;
	lr =	simm.s32 $0x1  }
0x2: {  	[smem:$0x3F98] =	sst lr;
	_ =	strace $0xD0000000  }
0x3: {  	_ = 	snop  }
0x4: {  	_ = 	snop  }
0x5: {  	_ = 	snop  }
0x6: {  	_ = 	snop  }
0x7: {  	_ = 	snop  }
__scs_overlays_trampoline_lowered:
0x8: {  	[smem:$0x3FA7] =	sst s0  }
0x9: {  	[smem:$0x3FA8] =	sst s1  }
0xa: {  	[smem:$0x3FA9] =	sst s2  }
0xb: {  	[smem:$0x3FAA] =	sst s3  }
0xc: {  	[smem:$0x3FAB] =	sst s4  }
0xd: {  	[smem:$0x3FAC] =	sst s5  }
0xe: {  	[smem:$0x3FAD] =	sst s6  }
0xf: {  	[smem:$0x3FAE] =	sst s7  }
0x10: {  	[smem:$0x3FAF] =	sst s8  }
0x11: {  	[smem:$0x3FB0] =	sst s9;
	s0 =	simm.s32 @!p0 $0x0  }
0x12: {  	s1 =	sld [smem:$0x3F96];
	s0 =	simm.s32 @p0 $0x1  }
0x13: {  	[smem:$0x3FB1] =	sst s0;
	s0 =	simm.s32 @!p1 $0x0  }
0x14: {  	s2 =	sld [smem:$0x3F95];
	s0 =	simm.s32 @p1 $0x1  }
0x15: {  	[smem:$0x3FB2] =	sst s0;
	s0 =	simm.s32 @!p2 $0x0  }
0x16: {  	s3 =	sld [smem:$0x3FDB];
	s0 =	simm.s32 @p2 $0x1  }
0x17: {  	s4 =	simm.s32 $0x1BF5;
	[smem:$0x3FB4] =	sst s0  }
0x18: {  	s0 =	sld [smem:$0x3F97];
	_ =	swait.ge [sflag:s4], $0x0  }
0x19: {  	s7 =	sld [smem:$0x3F98]  }
0x1a: {  	s8 =	sadd.s32 $0xFFFFE003, lr  }
0x1b: {  	s9 =	sadd.s32 $0xFFFFFEF7, lr;
	s5 =	simm.s32 $0xFFFFFFFF;
	p2 =	slt.u32 s8, $0xFFFFF086  }
0x1c: {  	p1 =	slt.u32 s9, $0xF7A;
	s5 =	simm.s32 @!p2 $0x0  }
0x1d: {  	s5 =	simm.s32 @p1 $0x1;
	p0 =	seq.s32 s7, s2  }
0x1e: {  	s7 =	smul.u32 @!p0 $0xF7A, s2;
	p2 =	seq.s32 @!p0 s5, $0x0  }
0x1f: {  	s9 =	smul.u32 $0xF7A, s1;
	s8 =	simm.s32 @!p0 $0x1BF5;
	p2 =	por !p2, p0  }
0x20: {  	[sflag:s8] =	ssyncset.s32 @!p0 $0xFFFFF086;
	s6 =	sadd.s32 @!p0 s3, s7;
	s7 =	simm.s32 @!p0 $0x108  }
0x21: {  	s3 =	sadd.s32 s3, s9;
	s6 =	sadd.s32 @!p0 $0x88, s6;
	s7 =	simm.s32 @p2 $0x1082  }
0x22: {  	[simem:s7], [sflag:s8] =	dma.local @!p0 [hbm:s6], $0xF7A  }
0x23: {  	s9 =	sor.u32 $0xD0000000, s2;
	s6 =	simm.s32 $0x108;
	_ =	swait.ge @!p0 [sflag:s8], $0x0  }
0x24: {  	s3 =	sadd.s32 $0x88, s3;
	s6 =	simm.s32 @!p1 $0x1082;
	[sflag:s4] =	ssyncset.s32 $0xFFFFF086  }
0x25: {  	[simem:s6], [sflag:s4] =	dma.local [hbm:s3], $0xF7A  }
0x26: {  	[smem:$0x3F98] =	sst s1;
	(tag) =	ssettag s2;
	_ =	strace s9  }
0x27: {  	s1 =	sld [smem:$0x3FA8]  }
0x28: {  	s2 =	sld [smem:$0x3FA9]  }
0x29: {  	s4 =	sld [smem:$0x3FAB]  }
0x2a: {  	p0 =	seq.s32 s5, $0x0;
	s5 =	sld [smem:$0x3FAC]  }
0x2b: {  	s6 =	sld [smem:$0x3FAD]  }
0x2c: {  	s7 =	sld [smem:$0x3FAE]  }
0x2d: {  	s3 =	simm.s32 $0x108;
	s8 =	sld [smem:$0x3FAF]  }
0x2e: {  	s3 =	simm.s32 @!p0 $0x1082;
	s9 =	sld [smem:$0x3FB0]  }
0x2f: {  	lr =	sadd.s32 s0, s3;
	s0 =	sld [smem:$0x3FA7]  }
0x30: {  	s3 =	sld [smem:$0x3FAA]  }
0x31: {  	[smem:$0x3FB3] =	sst s10  }
0x32: {  	s10 =	sld [smem:$0x3FB1];
	_ =	sdelay $0x3  }
0x33: {  	p0 =	seq.s32 s10, $0x1;
	s10 =	sld [smem:$0x3FB3];
	_ =	sdelay $0x3  }
0x34: {  	[smem:$0x3FB3] =	sst s10  }
0x35: {  	s10 =	sld [smem:$0x3FB2];
	_ =	sdelay $0x3  }
0x36: {  	p1 =	seq.s32 s10, $0x1;
	s10 =	sld [smem:$0x3FB3];
	_ =	sdelay $0x3  }
0x37: {  	[smem:$0x3FB3] =	sst s10  }
0x38: {  	s10 =	sld [smem:$0x3FB4]  }
0x39: {  	_ = 	snop;
	(pc) =	sbr.ind lr, $3  }
0x3a: {  	_ = 	snop  }
0x3b: {  	_ = 	snop  }
0x3c: {  	p2 =	seq.s32 s10, $0x1;
	s10 =	sld [smem:$0x3FB3]  }
0x3d: {  	_ =	shalt  }
0x3e: {  	_ =	shalt  }
0x3f: {  	_ =	shalt  }
0x40: {  	_ =	shalt  }
0x41: {  	_ =	shalt  }
0x42: {  	_ =	shalt  }
0x43: {  	_ =	shalt  }
0x44: {  	_ =	shalt  }
0x45: {  	_ =	shalt  }
0x46: {  	_ =	shalt  }
0x47: {  	_ =	shalt  }
0x48: {  	_ =	shalt  }
0x49: {  	_ =	shalt  }
0x4a: {  	_ =	shalt  }
0x4b: {  	_ =	shalt  }
0x4c: {  	_ =	shalt  }
0x4d: {  	_ =	shalt  }
0x4e: {  	_ =	shalt  }
0x4f: {  	_ =	shalt  }
0x50: {  	_ =	shalt  }
0x51: {  	_ =	shalt  }
0x52: {  	_ =	shalt  }
0x53: {  	_ =	shalt  }
0x54: {  	_ =	shalt  }
0x55: {  	_ =	shalt  }
0x56: {  	_ =	shalt  }
0x57: {  	_ =	shalt  }
0x58: {  	_ =	shalt  }
0x59: {  	_ =	shalt  }
0x5a: {  	_ =	shalt  }
0x5b: {  	_ =	shalt  }
0x5c: {  	_ =	shalt  }
0x5d: {  	_ =	shalt  }
0x5e: {  	_ =	shalt  }
0x5f: {  	_ =	shalt  }
0x60: {  	_ =	shalt  }
0x61: {  	_ =	shalt  }
0x62: {  	_ =	shalt  }
0x63: {  	_ =	shalt  }
0x64: {  	_ =	shalt  }
0x65: {  	_ =	shalt  }
0x66: {  	_ =	shalt  }
0x67: {  	_ =	shalt  }
0x68: {  	_ =	shalt  }
0x69: {  	_ =	shalt  }
0x6a: {  	_ =	shalt  }
0x6b: {  	_ =	shalt  }
0x6c: {  	_ =	shalt  }
0x6d: {  	_ =	shalt  }
0x6e: {  	_ =	shalt  }
0x6f: {  	_ =	shalt  }
0x70: {  	_ =	shalt  }
0x71: {  	_ =	shalt  }
0x72: {  	_ =	shalt  }
0x73: {  	_ =	shalt  }
0x74: {  	_ =	shalt  }
0x75: {  	_ =	shalt  }
0x76: {  	_ =	shalt  }
0x77: {  	_ =	shalt  }
0x78: {  	_ =	shalt  }
0x79: {  	_ =	shalt  }
0x7a: {  	_ =	shalt  }
0x7b: {  	_ =	shalt  }
0x7c: {  	_ =	shalt  }
0x7d: {  	_ =	shalt  }
0x7e: {  	_ =	shalt  }
0x7f: {  	_ =	shalt  }
0x80: {  	_ =	shalt  }
0x81: {  	_ =	shalt  }
0x82: {  	_ =	shalt  }
0x83: {  	_ =	shalt  }
0x84: {  	_ =	shalt  }
0x85: {  	_ =	shalt  }
0x86: {  	_ =	shalt  }
0x87: {  	_ =	shalt  }
.Lfunc_end0:
.L_simem_size_0:
called_computation.1_lowered:
.L_overlay_start_0:
0x88: {  	s2 =	sld [smem:$0x3FD9]  }
0x89: {  	s3 =	sld [smem:$0x3FFE];
	_ =	sdelay $0x1  }
0x8a: {  	s1 =	srdreg.scid  }
0x8b: {  	s0 =	sand.u32 $0x1, s1  }
0x8c: {  	s17 =	sshll.u32 s0, $0xA;
	s2 =	sadd.s32 s3, s2  }
0x8d: {  	s2 =	sadd.s32 s2, s17  }
0x8e: {  	[smem:$0x3FBF] =	sst s2  }
0x8f: {  	_ = 	snop  }
0x90: {  	s2 =	sld [smem:$0x3FD0];
	(tm) =	ssettm $0x1  }
0x91: {  	s18 =	sld [smem:$0x3FFB];
	_ =	sdelay $0x3  }
0x92: {  	_ =	strace s18  }
0x93: {  	s3 =	sld [smem:$0x3FFC];
	_ =	sdelay $0x3  }
0x94: {  	_ =	strace s3  }
0x95: {  	s3 =	sld [smem:$0x3FFD];
	_ =	sdelay $0x3  }
0x96: {  	_ =	strace s3  }
0x97: {  	_ =	strace $0x8FFFFFFF  }
0x98: {  	s19 =	sld [smem:$0x3FDB];
	_ =	sdelay $0x1  }
0x99: {  	s4 =	simm.s32 $_scs_section_size  }
0x9a: {  	s5 =	simm.s32 $_size__tile_overlayer_lowered;
	s6 =	simm.s32 $_tile_overlayer_lowered  }
0x9b: {  	s22 =	simm.s32 $0x1BFF;
	s21 =	sshll.u32 s6, $0x1;
	s3 =	sadd.s32 s4, s19  }
0x9c: {  	s7 =	simm.s32 $0x0;
	s20 =	sshll.u32 s5, $0x1;
	s5 =	sadd.s32 s21, s3  }
0x9d: {  	[timem:s7], [sflag:s22] =	dma.local [hbm:s5], s20  }
0x9e: {  	_ =	swait.ge [sflag:s22], s20  }
0x9f: {  	s4 =	ssub.s32 $0x0, s20;
	[sflag:s22] =	ssyncset.done $0x0  }
0xa0: {  	[sflag:s22] =	ssyncadd.s32 s4;
	_ =	sdelay $0x1  }
0xa1: {  	s23 =	simm.s32 $0x1B8B  }
0xa2: {  	_ =	swait.ge [sflag:s23], $0x1  }
0xa3: {  	[sflag:s23] =	ssyncset.done $0x0  }
0xa4: {  	s25 =	simm.s32 $0x1B8E;
	s24 =	sld [smem:$0x3FFE];
	[sflag:s23] =	ssyncadd.s32 $0xFFFFFFFF  }
0xa5: {  	s26 =	simm.s32 $execute0_lowered;
	[smem:$0x3FD2] =	sst s25  }
0xa6: {  	s5 =	sshll.u32 s26, $0x1;
	_ =	strace $0x80000049;
	[dreg:$0x1] =	wrdreg $0xFFFFFFFF  }
0xa7: {  	s28 =	simm.s32 $_size_execute0_lowered;
	s3 =	sadd.s32 s3, s5;
	[dreg:$0x0] =	wrdreg $0x0  }
0xa8: {  	s5 =	sshll.u32 s28, $0x1;
	[dreg:$0x2] =	wrdreg s3  }
0xa9: {  	[dreg:$0x3] =	wrdreg s5  }
0xaa: {  	[dreg:$0x4] =	wrdreg $0xC0  }
0xab: {  	_ =	task [dreg:s7], $0x5FFFF  }
0xac: {  	[dreg:$0x1] =	wrdreg $0xFFFFFFFF  }
0xad: {  	[dreg:$0x0] =	wrdreg $0x60  }
0xae: {  	[dreg:$0x2] =	wrdreg s2  }
0xaf: {  	[dreg:$0x3] =	wrdreg s24  }
0xb0: {  	[dreg:$0x4] =	wrdreg $0x90000  }
0xb1: {  	[dreg:$0x5] =	wrdreg $0x9  }
0xb2: {  	_ =	task.clear_ibuf [dreg:s7], $0x6FFFF;
	_ =	strace $0x90000049  }
0xb3: {  	s29 =	simm.s32 $0x9;
	_ =	strace $0x8000004B  }
0xb4: {  	_ =	swait.ge [sflag:s29], $0x1  }
0xb5: {  	[sflag:s29] =	ssyncadd.s32 $0xFFFFFFFF  }
0xb6: {  	_ =	strace $0x9000004B  }
0xb7: {  	_ =	sfence  }
0xb8: {  	s30 =	sld [smem:$0x0];
	_ =	sdelay $0x2  }
0xb9: {  	s31 =	sshll.u32 s1, $0xD;
	s1 =	sshrl.u32 s1, $0x2  }
0xba: {  	s3 =	sand.u32 $0x4000, s31;
	s1 =	sadd.s32 s1, s30  }
0xbb: {  	s0 =	sor.u32 s3, s0;
	s1 =	sshll.u32 s1, $0x11  }
0xbc: {  	s0 =	sor.u32 s1, s0  }
0xbd: {  	s0 =	sadd.s32 $0x8F2B, s0  }
0xbe: {  	[sflag:s0] =	ssyncadd.remote.s32 $0x1  }
0xbf: {  	_ =	sfence.sel $0xFFFF  }
0xc0: {  	[dreg:$0x0] =	wrdreg $0xFFFFFFFF;
	(pc) =	sbr.abs _section_cstart, $3  }
0xc1: {  	[dreg:$0x1] =	wrdreg $0xFFFFFFFF  }
0xc2: {  	_ =	task.clear_ibuf [dreg:s7], $0x2FFFF;
	_ =	strace $0x9FFFFFFF  }
0xc3: {  	(tm) =	ssettm $0x7FFFFFFF  }
tec
execute0_lowered:
.L_overlay_start_1:
0x0: {  	(tag) =	ssettag $0x1  }
0x1: {  	s1 =	rddreg [dreg:$0x0]  }
0x2: {  	s0 =	srdreg.scid;
	s5 =	rddreg [dreg:$0x1]  }
0x3: {  	s10 =	stileid.u32;
	s3 =	rddreg [dreg:$0x2];
	s4 =	simm.s32 $0x0  }
0x4: {  	s28 =	simm.s32 $0x6800;
	s29 =	simm.s32 $0x80;
	s30 =	simm.s32 $0x2780  }
0x5: {  	s31 =	simm.s32 $0x1;
	s0 =	sand.u32 $0x1, s0;
	s2 =	sshll.u32 s10, $0x1  }
0x6: {  	s7 =	smul.u32 $0x4F00, s10;
	[smem:$0x7FF] =	sst s4;
	s11 =	sshrl.u32 s10, $0x2  }
0x7: {  	s12 =	sadd.s32 $0x15C00, s5;
	s13 =	sadd.s32 $0x16400, s5;
	s15 =	smul.u32 $0x50000, s10  }
0x8: {  	s23 =	sadd.s32 $0x16A00, s5;
	s20 =	smul.u32 $0x280, s10;
	s2 =	sor.u32 s0, s2  }
0x9: {  	s8 =	smul.u32 $0x2780, s0;
	_ =	strace $0x8000004A;
	[dreg:$0x4] =	wrdreg s12  }
0xa: {  	[dreg:$0x5] =	wrdreg s13;
	s14 =	ssub.s32 $0x2, s0;
	s0 =	smul.u32 $0x2800, s0  }
0xb: {  	s6 =	smul.u32 $0x2780, s2;
	s2 =	sshll.u32 s2, $0x7;
	s16 =	sshrl.u32 s14, $0x1  }
0xc: {  	s17 =	sshrl.u32 s15, $0x2;
	s19 =	sadd.s32 $0x80, s20;
	s25 =	sadd.s32 $0x100, s20  }
0xd: {  	s7 =	sadd.s32 s8, s7;
	s8 =	smul.u32 $0x14000, s11;
	s2 =	sand.u32 $0x380, s2  }
0xe: {  	s18 =	sadd.s32 s0, s20;
	s21 =	sshll.u32 s19, $0x7;
	s6 =	sshrl.u32 s6, $0x3  }
0xf: {  	s26 =	sshll.u32 s25, $0x7;
	s7 =	sshrl.u32 s7, $0x3;
	s9 =	sadd.s32 s6, s5  }
0x10: {  	s24 =	sadd.s32 s7, s5;
	s2 =	sor.u32 s8, s2;
	s7 =	sadd.s32 s17, s3  }
0x11: {  	s6 =	sadd.s32 $0x180, s20;
	s2 =	sshrl.u32 s2, $0x3;
	s8 =	sadd.s32 $0x70A00, s9  }
0x12: {  	s11 =	sadd.s32 $0x4000, s7;
	s12 =	sadd.s32 $0x8000, s7;
	s13 =	sadd.s32 $0xC000, s7  }
0x13: {  	s24 =	sadd.s32 $0x7A800, s24;
	s2 =	sadd.s32 s2, s5;
	s5 =	ssub.s32 s14, s16  }
0x14: {  	s14 =	sadd.s32 $0x10000, s7;
	s16 =	sadd.s32 s21, s3;
	s21 =	sadd.s32 $0x200, s20  }
0x15: {  	s9 =	sadd.s32 $0x2000, s2;
	s10 =	smax.u32 s5, $0x1;
	s2 =	sshll.u32 s18, $0x4  }
0x16: {  	s5 =	sadd.s32 s0, s19;
	s18 =	sadd.s32 s26, s3;
	s26 =	sshll.u32 s21, $0x7  }
0x17: {  	s15 =	sadd.s32 s23, s2;
	s22 =	sshll.u32 s5, $0x4;
	s5 =	sadd.s32 s0, s25  }
0x18: {  	s25 =	sadd.s32 s0, s6;
	s0 =	sadd.s32 s0, s21;
	s17 =	sadd.s32 s23, s22  }
0x19: {  	s5 =	sshll.u32 s5, $0x4;
	s22 =	sshll.u32 s6, $0x7;
	s2 =	sshll.u32 s25, $0x4  }
0x1a: {  	s0 =	sshll.u32 s0, $0x4;
	s25 =	simm.s32 $0x2800;
	s19 =	sadd.s32 s23, s5  }
0x1b: {  	s20 =	sadd.s32 s22, s3;
	s21 =	sadd.s32 s23, s2;
	s22 =	sadd.s32 s26, s3  }
0x1c: {  	v0 =	vimm.f32 $1.000000000e+00;
	s23 =	sadd.s32 s23, s0;
	s26 =	simm.s32 $0x2;
	s0 =	simm.s32 $0x0  }
.LBB2_1:
0x1d: {  	s2 =	rddreg [dreg:$0x4]  }
0x1e: {  	[tilespmem:s25], [sflag:$0x2] =	stream.linear.gather [hbm4b:s2+s4], $0x4000, $0x38;
	[tilespmem:$0x1D000] =	vst v63  }
0x1f: {  	_ =	swait.ge [sflag:s26], $0x4000  }
0x20: {  	[sflag:s26] =	ssyncset.done $0x0  }
0x21: {  	s6 =	rddreg [dreg:$0x5];
	[sflag:s26] =	ssyncadd.s32 $0xFFFFC000  }
0x22: {  	[tilespmem:s28], [sflag:$0x2] =	stream.linear.gather [hbm4b:s6+s4], $0x2800, $0x38;
	[tilespmem:$0x1D000] =	vst v63  }
0x23: {  	_ =	swait.ge [sflag:s26], $0x2800  }
0x24: {  	[sflag:s26] =	ssyncset.done $0x0  }
0x25: {  	[sflag:s26] =	ssyncadd.s32 $0xFFFFD800  }
0x26: {  	[spmem:s7] =	stream.linear.scatter [tilespmem:s25], [sflag:$0x2], $0x4000, $0x38;
	[tilespmem:$0x1D000] =	vst v63  }
0x27: {  	_ =	swait.ge [sflag:s26], $0x4000  }
0x28: {  	[sflag:s26] =	ssyncset.done $0x0  }
0x29: {  	[sflag:s26] =	ssyncadd.s32 $0xFFFFC000  }
0x2a: {  	[spmem:s11] =	stream.linear.scatter [tilespmem:s25], [sflag:$0x2], $0x4000, $0x38;
	[tilespmem:$0x1D000] =	vst v63  }
0x2b: {  	_ =	swait.ge [sflag:s26], $0x4000  }
0x2c: {  	[sflag:s26] =	ssyncset.done $0x0  }
0x2d: {  	[sflag:s26] =	ssyncadd.s32 $0xFFFFC000  }
0x2e: {  	[spmem:s12] =	stream.linear.scatter [tilespmem:s25], [sflag:$0x2], $0x4000, $0x38;
	[tilespmem:$0x1D000] =	vst v63  }
0x2f: {  	_ =	swait.ge [sflag:s26], $0x4000  }
0x30: {  	[sflag:s26] =	ssyncset.done $0x0  }
0x31: {  	[sflag:s26] =	ssyncadd.s32 $0xFFFFC000  }
0x32: {  	[spmem:s13] =	stream.linear.scatter [tilespmem:s25], [sflag:$0x2], $0x4000, $0x38;
	[tilespmem:$0x1D000] =	vst v63  }
0x33: {  	_ =	swait.ge [sflag:s26], $0x4000  }
0x34: {  	[sflag:s26] =	ssyncset.done $0x0  }
0x35: {  	[sflag:s26] =	ssyncadd.s32 $0xFFFFC000  }
0x36: {  	[spmem:s14] =	stream.linear.scatter [tilespmem:s25], [sflag:$0x2], $0x4000, $0x38;
	[tilespmem:$0x1D000] =	vst v63  }
0x37: {  	_ =	swait.ge [sflag:s26], $0x4000  }
0x38: {  	[sflag:s26] =	ssyncset.done $0x0  }
0x39: {  	[sflag:s26] =	ssyncadd.s32 $0xFFFFC000  }
0x3a: {  	[bflag:$0x0] =	sbarrier.arrive $0xFFFF  }
0x3b: {  	[tilespmem:s4], [sflag:$0x2] =	stream.linear.gather [hbm4b:s8+s4], $0x2780, $0x38;
	[tilespmem:$0x1D000] =	vst v63  }
0x3c: {  	_ =	swait.ge [sflag:s26], $0x2780  }
0x3d: {  	[sflag:s26] =	ssyncset.done $0x0  }
0x3e: {  	s5 =	simm.s32 $0x0;
	s2 =	simm.s32 $0x0;
	[sflag:s26] =	ssyncadd.s32 $0xFFFFD880  }
.LBB2_2:
0x3f: {  	[tilespmem:s25], [sflag:$0x1] =	stream.indirect.gather [hbm4b:s1+s29], $0x80, s2, s29, $0xb8;
	[tilespmem:$0x1D000] =	vst v63  }
0x40: {  	s6 =	sadd.s32 s5, s24  }
0x41: {  	[tilespmem:s30], [sflag:$0x2] =	stream.linear.gather [hbm4b:s6+s4], $0x80, $0x38;
	[tilespmem:$0x1D000] =	vst v63  }
0x42: {  	_ =	swait.ge [sflag:s26], $0x80  }
0x43: {  	[sflag:s26] =	ssyncset.done $0x0  }
0x44: {  	[sflag:s26] =	ssyncadd.s32 $0xFFFFFF80  }
0x45: {  	_ =	swait.ge [sflag:s31], $0x4000  }
0x46: {  	[sflag:s31] =	ssyncset.done $0x0  }
0x47: {  	[sflag:s31] =	ssyncadd.s32 $0xFFFFC000  }
0x48: {  	[spmem:s3] =	stream.indirect.scatter.add.f32 [tilespmem:s25], [sflag:$0x2], $0x80, s30, s29, $0xb8;
	[tilespmem:$0x1D000] =	vst v63  }
0x49: {  	_ =	swait.ge [sflag:s26], $0x4000  }
0x4a: {  	[sflag:s26] =	ssyncset.done $0x0  }
0x4b: {  	[sflag:s26] =	ssyncadd.s32 $0xFFFFC000  }
0x4c: {  	v1 =	vld [tilespmem:$0x2780];
	_ =	sdelay $0x7  }
0x4d: {  	[tilespmem:v1+s28+$0x0] =	vst.idx.add.f32.msk $0xffff, v0  }
0x4e: {  	v1 =	vld [tilespmem:$0x2790];
	_ =	sdelay $0x7  }
0x4f: {  	[tilespmem:v1+s28+$0x0] =	vst.idx.add.f32.msk $0xffff, v0  }
0x50: {  	v1 =	vld [tilespmem:$0x27A0];
	_ =	sdelay $0x7  }
0x51: {  	[tilespmem:v1+s28+$0x0] =	vst.idx.add.f32.msk $0xffff, v0  }
0x52: {  	v1 =	vld [tilespmem:$0x27B0];
	_ =	sdelay $0x7  }
0x53: {  	[tilespmem:v1+s28+$0x0] =	vst.idx.add.f32.msk $0xffff, v0  }
0x54: {  	v1 =	vld [tilespmem:$0x27C0];
	_ =	sdelay $0x7  }
0x55: {  	[tilespmem:v1+s28+$0x0] =	vst.idx.add.f32.msk $0xffff, v0  }
0x56: {  	v1 =	vld [tilespmem:$0x27D0];
	_ =	sdelay $0x7  }
0x57: {  	[tilespmem:v1+s28+$0x0] =	vst.idx.add.f32.msk $0xffff, v0  }
0x58: {  	v1 =	vld [tilespmem:$0x27E0];
	_ =	sdelay $0x7  }
0x59: {  	[tilespmem:v1+s28+$0x0] =	vst.idx.add.f32.msk $0xffff, v0  }
0x5a: {  	v1 =	vld [tilespmem:$0x27F0];
	_ =	sdelay $0x2  }
0x5b: {  	p0 =	sne.s32 s5, $0x4E0  }
.Ltmp0:
0x5c: {  	_ = 	snop;
	(pc) =	sbr.rel @p0 .LBB2_2-.Ltmp0, $2  }
0x5d: {  	_ =	sdelay $0x2  }
0x5e: {  	s2 =	sadd.s32 $0x80, s2;
	s5 =	sadd.s32 $0x10, s5;
	[tilespmem:v1+s28+$0x0] =	vst.idx.add.f32.msk $0xffff, v0  }
0x5f: {  	[bflag:$0x0] =	sbarrier.arrive $0xFFFF  }
0x60: {  	[tilespmem:s25], [sflag:$0x2] =	stream.linear.gather [spmem:s7], $0x4000, $0x38;
	[tilespmem:$0x1D000] =	vst v63  }
0x61: {  	_ =	swait.ge [sflag:s26], $0x4000  }
0x62: {  	[sflag:s26] =	ssyncset.done $0x0  }
0x63: {  	[sflag:s26] =	ssyncadd.s32 $0xFFFFC000  }
0x64: {  	[hbm4b:s15+s4] =	stream.linear.scatter [tilespmem:s25], [sflag:$0x2], $0x4000, $0x38;
	[tilespmem:$0x1D000] =	vst v63  }
0x65: {  	_ =	swait.ge [sflag:s26], $0x4000  }
0x66: {  	[sflag:s26] =	ssyncset.done $0x0  }
0x67: {  	[sflag:s26] =	ssyncadd.s32 $0xFFFFC000  }
0x68: {  	[tilespmem:s25], [sflag:$0x2] =	stream.linear.gather [spmem:s16], $0x4000, $0x38;
	[tilespmem:$0x1D000] =	vst v63  }
0x69: {  	_ =	swait.ge [sflag:s26], $0x4000  }
0x6a: {  	[sflag:s26] =	ssyncset.done $0x0  }
0x6b: {  	[sflag:s26] =	ssyncadd.s32 $0xFFFFC000  }
0x6c: {  	[hbm4b:s17+s4] =	stream.linear.scatter [tilespmem:s25], [sflag:$0x2], $0x4000, $0x38;
	[tilespmem:$0x1D000] =	vst v63  }
0x6d: {  	_ =	swait.ge [sflag:s26], $0x4000  }
0x6e: {  	[sflag:s26] =	ssyncset.done $0x0  }
0x6f: {  	[sflag:s26] =	ssyncadd.s32 $0xFFFFC000  }
0x70: {  	[tilespmem:s25], [sflag:$0x2] =	stream.linear.gather [spmem:s18], $0x4000, $0x38;
	[tilespmem:$0x1D000] =	vst v63  }
0x71: {  	_ =	swait.ge [sflag:s26], $0x4000  }
0x72: {  	[sflag:s26] =	ssyncset.done $0x0  }
0x73: {  	[sflag:s26] =	ssyncadd.s32 $0xFFFFC000  }
0x74: {  	[hbm4b:s19+s4] =	stream.linear.scatter [tilespmem:s25], [sflag:$0x2], $0x4000, $0x38;
	[tilespmem:$0x1D000] =	vst v63  }
0x75: {  	_ =	swait.ge [sflag:s26], $0x4000  }
0x76: {  	[sflag:s26] =	ssyncset.done $0x0  }
0x77: {  	[sflag:s26] =	ssyncadd.s32 $0xFFFFC000  }
0x78: {  	[tilespmem:s25], [sflag:$0x2] =	stream.linear.gather [spmem:s20], $0x4000, $0x38;
	[tilespmem:$0x1D000] =	vst v63  }
0x79: {  	_ =	swait.ge [sflag:s26], $0x4000  }
0x7a: {  	[sflag:s26] =	ssyncset.done $0x0  }
0x7b: {  	[sflag:s26] =	ssyncadd.s32 $0xFFFFC000  }
0x7c: {  	[hbm4b:s21+s4] =	stream.linear.scatter [tilespmem:s25], [sflag:$0x2], $0x4000, $0x38;
	[tilespmem:$0x1D000] =	vst v63  }
0x7d: {  	_ =	swait.ge [sflag:s26], $0x4000  }
0x7e: {  	[sflag:s26] =	ssyncset.done $0x0  }
0x7f: {  	[sflag:s26] =	ssyncadd.s32 $0xFFFFC000  }
0x80: {  	[tilespmem:s25], [sflag:$0x2] =	stream.linear.gather [spmem:s22], $0x4000, $0x38;
	[tilespmem:$0x1D000] =	vst v63  }
0x81: {  	_ =	swait.ge [sflag:s26], $0x4000  }
0x82: {  	[sflag:s26] =	ssyncset.done $0x0  }
0x83: {  	[sflag:s26] =	ssyncadd.s32 $0xFFFFC000  }
0x84: {  	[hbm4b:s23+s4] =	stream.linear.scatter [tilespmem:s25], [sflag:$0x2], $0x4000, $0x38;
	[tilespmem:$0x1D000] =	vst v63  }
0x85: {  	s0 =	sadd.s32 $0x1, s0;
	_ =	swait.ge [sflag:s26], $0x4000  }
0x86: {  	p0 =	sne.s32 s0, s10;
	[sflag:s26] =	ssyncset.done $0x0  }
.Ltmp1:
0x87: {  	s2 =	simm.s32 $0x400;
	[sflag:s26] =	ssyncadd.s32 $0xFFFFC000;
	(pc) =	sbr.rel @p0 .LBB2_1-.Ltmp1, $4  }
0x88: {  	[hbm4b:s9+s29] =	stream.strided.scatter [tilespmem:s28], [sflag:$0x2], $0x2800, s2, s29, $0x38;
	[tilespmem:$0x1D000] =	vst v63  }
0x89: {  	_ =	swait.ge [sflag:s26], $0x2800  }
0x8a: {  	[sflag:s26] =	ssyncset.done $0x0  }
0x8b: {  	[sflag:s26] =	ssyncadd.s32 $0xFFFFD800  }
0x8c: {  	_ =	sfence.sel $0x180000  }
0x8d: {  	[bflag:$0x0] =	sbarrier.arrive $0xFFFF  }
0x8e: {  	_ =	strace $0x9000004A  }
0x8f: {  	s0 =	stileid.u32;
	[bflag:$0x2] =	sbarrier.arrive $0xFFFF  }
0x90: {  	p0 =	sne.s32 s0, $0x0;
	s0 =	rddreg [dreg:$0x3]  }
0x91: {  	s0 =	sadd.s32 @!p0 $0x100000, s0  }
0x92: {  	[sflag:s0] =	ssyncadd.tile.s32 @!p0 $0x1;
	_ =	shalt  }
.Lfunc_end2:
_tile_overlayer_lowered:
.L_overlay_start_2:
0x93: {  	(tag) =	ssettag $0x2  }
0x94: {  	s0 =	rddreg [dreg:$0x0];
	s2 =	stileid.u32  }
0x95: {  	s1 =	rddreg [dreg:$0x1];
	p0 =	sne.s32 s2, $0x0  }
0x96: {  	s3 =	rddreg [dreg:$0x2];
	[bflag:$0x3] =	sbarrier.arrive $0xFFFF;
	s2 =	simm.s32 @!p0 $0x1C02  }
0x97: {  	[timem:s3], [sflag:s2] =	dma.local @!p0 [hbm:s0], s1  }
0x98: {  	s0 =	simm.s32 @!p0 $0x2  }
0x99: {  	_ =	swait.ge @!p0 [sflag:s0], s1  }
0x9a: {  	s1 =	ssub.s32 @!p0 $0x0, s1;
	[sflag:s0] =	ssyncset.done @!p0 $0x0  }
0x9b: {  	[sflag:s0] =	ssyncadd.s32 @!p0 s1  }
0x9c: {  	[bflag:$0x3] =	sbarrier.arrive $0xFFFF  }
0x9d: {  	_ =	shalt  }

// kernel: kernel.7.cloned.1.call-start
scs
__scs_entry_jumppad:
0x0: {  	(pc) =	sbr.rel $0x88, $3  }
0x1: {  	(tag) =	ssettag $0x0;
	lr =	simm.s32 $0x1  }
0x2: {  	[smem:$0x3F98] =	sst lr;
	_ =	strace $0xD0000000  }
0x3: {  	_ = 	snop  }
0x4: {  	_ = 	snop  }
0x5: {  	_ = 	snop  }
0x6: {  	_ = 	snop  }
0x7: {  	_ = 	snop  }
__scs_overlays_trampoline_lowered:
0x8: {  	[smem:$0x3FA7] =	sst s0  }
0x9: {  	[smem:$0x3FA8] =	sst s1  }
0xa: {  	[smem:$0x3FA9] =	sst s2  }
0xb: {  	[smem:$0x3FAA] =	sst s3  }
0xc: {  	[smem:$0x3FAB] =	sst s4  }
0xd: {  	[smem:$0x3FAC] =	sst s5  }
0xe: {  	[smem:$0x3FAD] =	sst s6  }
0xf: {  	[smem:$0x3FAE] =	sst s7  }
0x10: {  	[smem:$0x3FAF] =	sst s8  }
0x11: {  	[smem:$0x3FB0] =	sst s9;
	s0 =	simm.s32 @!p0 $0x0  }
0x12: {  	s1 =	sld [smem:$0x3F96];
	s0 =	simm.s32 @p0 $0x1  }
0x13: {  	[smem:$0x3FB1] =	sst s0;
	s0 =	simm.s32 @!p1 $0x0  }
0x14: {  	s2 =	sld [smem:$0x3F95];
	s0 =	simm.s32 @p1 $0x1  }
0x15: {  	[smem:$0x3FB2] =	sst s0;
	s0 =	simm.s32 @!p2 $0x0  }
0x16: {  	s3 =	sld [smem:$0x3FDB];
	s0 =	simm.s32 @p2 $0x1  }
0x17: {  	s4 =	simm.s32 $0x1BF5;
	[smem:$0x3FB4] =	sst s0  }
0x18: {  	s0 =	sld [smem:$0x3F97];
	_ =	swait.ge [sflag:s4], $0x0  }
0x19: {  	s7 =	sld [smem:$0x3F98]  }
0x1a: {  	s8 =	sadd.s32 $0xFFFFE003, lr  }
0x1b: {  	s9 =	sadd.s32 $0xFFFFFEF7, lr;
	s5 =	simm.s32 $0xFFFFFFFF;
	p2 =	slt.u32 s8, $0xFFFFF086  }
0x1c: {  	p1 =	slt.u32 s9, $0xF7A;
	s5 =	simm.s32 @!p2 $0x0  }
0x1d: {  	s5 =	simm.s32 @p1 $0x1;
	p0 =	seq.s32 s7, s2  }
0x1e: {  	s7 =	smul.u32 @!p0 $0xF7A, s2;
	p2 =	seq.s32 @!p0 s5, $0x0  }
0x1f: {  	s9 =	smul.u32 $0xF7A, s1;
	s8 =	simm.s32 @!p0 $0x1BF5;
	p2 =	por !p2, p0  }
0x20: {  	[sflag:s8] =	ssyncset.s32 @!p0 $0xFFFFF086;
	s6 =	sadd.s32 @!p0 s3, s7;
	s7 =	simm.s32 @!p0 $0x108  }
0x21: {  	s3 =	sadd.s32 s3, s9;
	s6 =	sadd.s32 @!p0 $0x88, s6;
	s7 =	simm.s32 @p2 $0x1082  }
0x22: {  	[simem:s7], [sflag:s8] =	dma.local @!p0 [hbm:s6], $0xF7A  }
0x23: {  	s9 =	sor.u32 $0xD0000000, s2;
	s6 =	simm.s32 $0x108;
	_ =	swait.ge @!p0 [sflag:s8], $0x0  }
0x24: {  	s3 =	sadd.s32 $0x88, s3;
	s6 =	simm.s32 @!p1 $0x1082;
	[sflag:s4] =	ssyncset.s32 $0xFFFFF086  }
0x25: {  	[simem:s6], [sflag:s4] =	dma.local [hbm:s3], $0xF7A  }
0x26: {  	[smem:$0x3F98] =	sst s1;
	(tag) =	ssettag s2;
	_ =	strace s9  }
0x27: {  	s1 =	sld [smem:$0x3FA8]  }
0x28: {  	s2 =	sld [smem:$0x3FA9]  }
0x29: {  	s4 =	sld [smem:$0x3FAB]  }
0x2a: {  	p0 =	seq.s32 s5, $0x0;
	s5 =	sld [smem:$0x3FAC]  }
0x2b: {  	s6 =	sld [smem:$0x3FAD]  }
0x2c: {  	s7 =	sld [smem:$0x3FAE]  }
0x2d: {  	s3 =	simm.s32 $0x108;
	s8 =	sld [smem:$0x3FAF]  }
0x2e: {  	s3 =	simm.s32 @!p0 $0x1082;
	s9 =	sld [smem:$0x3FB0]  }
0x2f: {  	lr =	sadd.s32 s0, s3;
	s0 =	sld [smem:$0x3FA7]  }
0x30: {  	s3 =	sld [smem:$0x3FAA]  }
0x31: {  	[smem:$0x3FB3] =	sst s10  }
0x32: {  	s10 =	sld [smem:$0x3FB1];
	_ =	sdelay $0x3  }
0x33: {  	p0 =	seq.s32 s10, $0x1;
	s10 =	sld [smem:$0x3FB3];
	_ =	sdelay $0x3  }
0x34: {  	[smem:$0x3FB3] =	sst s10  }
0x35: {  	s10 =	sld [smem:$0x3FB2];
	_ =	sdelay $0x3  }
0x36: {  	p1 =	seq.s32 s10, $0x1;
	s10 =	sld [smem:$0x3FB3];
	_ =	sdelay $0x3  }
0x37: {  	[smem:$0x3FB3] =	sst s10  }
0x38: {  	s10 =	sld [smem:$0x3FB4]  }
0x39: {  	_ = 	snop;
	(pc) =	sbr.ind lr, $3  }
0x3a: {  	_ = 	snop  }
0x3b: {  	_ = 	snop  }
0x3c: {  	p2 =	seq.s32 s10, $0x1;
	s10 =	sld [smem:$0x3FB3]  }
0x3d: {  	_ =	shalt  }
0x3e: {  	_ =	shalt  }
0x3f: {  	_ =	shalt  }
0x40: {  	_ =	shalt  }
0x41: {  	_ =	shalt  }
0x42: {  	_ =	shalt  }
0x43: {  	_ =	shalt  }
0x44: {  	_ =	shalt  }
0x45: {  	_ =	shalt  }
0x46: {  	_ =	shalt  }
0x47: {  	_ =	shalt  }
0x48: {  	_ =	shalt  }
0x49: {  	_ =	shalt  }
0x4a: {  	_ =	shalt  }
0x4b: {  	_ =	shalt  }
0x4c: {  	_ =	shalt  }
0x4d: {  	_ =	shalt  }
0x4e: {  	_ =	shalt  }
0x4f: {  	_ =	shalt  }
0x50: {  	_ =	shalt  }
0x51: {  	_ =	shalt  }
0x52: {  	_ =	shalt  }
0x53: {  	_ =	shalt  }
0x54: {  	_ =	shalt  }
0x55: {  	_ =	shalt  }
0x56: {  	_ =	shalt  }
0x57: {  	_ =	shalt  }
0x58: {  	_ =	shalt  }
0x59: {  	_ =	shalt  }
0x5a: {  	_ =	shalt  }
0x5b: {  	_ =	shalt  }
0x5c: {  	_ =	shalt  }
0x5d: {  	_ =	shalt  }
0x5e: {  	_ =	shalt  }
0x5f: {  	_ =	shalt  }
0x60: {  	_ =	shalt  }
0x61: {  	_ =	shalt  }
0x62: {  	_ =	shalt  }
0x63: {  	_ =	shalt  }
0x64: {  	_ =	shalt  }
0x65: {  	_ =	shalt  }
0x66: {  	_ =	shalt  }
0x67: {  	_ =	shalt  }
0x68: {  	_ =	shalt  }
0x69: {  	_ =	shalt  }
0x6a: {  	_ =	shalt  }
0x6b: {  	_ =	shalt  }
0x6c: {  	_ =	shalt  }
0x6d: {  	_ =	shalt  }
0x6e: {  	_ =	shalt  }
0x6f: {  	_ =	shalt  }
0x70: {  	_ =	shalt  }
0x71: {  	_ =	shalt  }
0x72: {  	_ =	shalt  }
0x73: {  	_ =	shalt  }
0x74: {  	_ =	shalt  }
0x75: {  	_ =	shalt  }
0x76: {  	_ =	shalt  }
0x77: {  	_ =	shalt  }
0x78: {  	_ =	shalt  }
0x79: {  	_ =	shalt  }
0x7a: {  	_ =	shalt  }
0x7b: {  	_ =	shalt  }
0x7c: {  	_ =	shalt  }
0x7d: {  	_ =	shalt  }
0x7e: {  	_ =	shalt  }
0x7f: {  	_ =	shalt  }
0x80: {  	_ =	shalt  }
0x81: {  	_ =	shalt  }
0x82: {  	_ =	shalt  }
0x83: {  	_ =	shalt  }
0x84: {  	_ =	shalt  }
0x85: {  	_ =	shalt  }
0x86: {  	_ =	shalt  }
0x87: {  	_ =	shalt  }
.Lfunc_end0:
.L_simem_size_0:
called_computation_lowered:
.L_overlay_start_0:
0x88: {  	s2 =	sld [smem:$0x3FD9]  }
0x89: {  	s3 =	sld [smem:$0x3FFE];
	_ =	sdelay $0x1  }
0x8a: {  	s1 =	srdreg.scid  }
0x8b: {  	s0 =	sand.u32 $0x1, s1  }
0x8c: {  	s17 =	sshll.u32 s0, $0xA;
	s2 =	sadd.s32 s3, s2  }
0x8d: {  	s2 =	sadd.s32 s2, s17  }
0x8e: {  	[smem:$0x3FBF] =	sst s2  }
0x8f: {  	_ = 	snop  }
0x90: {  	s2 =	sld [smem:$0x3FD0];
	(tm) =	ssettm $0x1  }
0x91: {  	s18 =	sld [smem:$0x3FFB];
	_ =	sdelay $0x3  }
0x92: {  	_ =	strace s18  }
0x93: {  	s3 =	sld [smem:$0x3FFC];
	_ =	sdelay $0x3  }
0x94: {  	_ =	strace s3  }
0x95: {  	s3 =	sld [smem:$0x3FFD];
	_ =	sdelay $0x3  }
0x96: {  	_ =	strace s3  }
0x97: {  	_ =	strace $0x8FFFFFFF  }
0x98: {  	s19 =	sld [smem:$0x3FDB];
	_ =	sdelay $0x1  }
0x99: {  	s4 =	simm.s32 $_scs_section_size  }
0x9a: {  	s5 =	simm.s32 $_size__tile_overlayer_lowered;
	s6 =	simm.s32 $_tile_overlayer_lowered  }
0x9b: {  	s22 =	simm.s32 $0x1BFF;
	s21 =	sshll.u32 s6, $0x1;
	s3 =	sadd.s32 s4, s19  }
0x9c: {  	s7 =	simm.s32 $0x0;
	s20 =	sshll.u32 s5, $0x1;
	s5 =	sadd.s32 s21, s3  }
0x9d: {  	[timem:s7], [sflag:s22] =	dma.local [hbm:s5], s20  }
0x9e: {  	_ =	swait.ge [sflag:s22], s20  }
0x9f: {  	s4 =	ssub.s32 $0x0, s20;
	[sflag:s22] =	ssyncset.done $0x0  }
0xa0: {  	[sflag:s22] =	ssyncadd.s32 s4;
	_ =	sdelay $0x1  }
0xa1: {  	s23 =	simm.s32 $0x1B8B  }
0xa2: {  	_ =	swait.ge [sflag:s23], $0x1  }
0xa3: {  	[sflag:s23] =	ssyncset.done $0x0  }
0xa4: {  	s25 =	simm.s32 $0x1B8E;
	s24 =	sld [smem:$0x3FFE];
	[sflag:s23] =	ssyncadd.s32 $0xFFFFFFFF  }
0xa5: {  	s26 =	simm.s32 $execute0_lowered;
	[smem:$0x3FD2] =	sst s25  }
0xa6: {  	s5 =	sshll.u32 s26, $0x1;
	_ =	strace $0x80000046;
	[dreg:$0x1] =	wrdreg $0xFFFFFFFF  }
0xa7: {  	s28 =	simm.s32 $_size_execute0_lowered;
	s3 =	sadd.s32 s3, s5;
	[dreg:$0x0] =	wrdreg $0x0  }
0xa8: {  	s5 =	sshll.u32 s28, $0x1;
	[dreg:$0x2] =	wrdreg s3  }
0xa9: {  	[dreg:$0x3] =	wrdreg s5  }
0xaa: {  	[dreg:$0x4] =	wrdreg $0xC0  }
0xab: {  	_ =	task [dreg:s7], $0x5FFFF  }
0xac: {  	[dreg:$0x1] =	wrdreg $0xFFFFFFFF  }
0xad: {  	[dreg:$0x0] =	wrdreg $0x60  }
0xae: {  	[dreg:$0x2] =	wrdreg s2  }
0xaf: {  	[dreg:$0x3] =	wrdreg s24  }
0xb0: {  	[dreg:$0x4] =	wrdreg $0x90000  }
0xb1: {  	[dreg:$0x5] =	wrdreg $0x9  }
0xb2: {  	_ =	task.clear_ibuf [dreg:s7], $0x6FFFF;
	_ =	strace $0x90000046  }
0xb3: {  	s29 =	simm.s32 $0x9;
	_ =	strace $0x80000048  }
0xb4: {  	_ =	swait.ge [sflag:s29], $0x1  }
0xb5: {  	[sflag:s29] =	ssyncadd.s32 $0xFFFFFFFF  }
0xb6: {  	_ =	strace $0x90000048  }
0xb7: {  	_ =	sfence  }
0xb8: {  	s30 =	sld [smem:$0x0];
	_ =	sdelay $0x2  }
0xb9: {  	s31 =	sshll.u32 s1, $0xD;
	s1 =	sshrl.u32 s1, $0x2  }
0xba: {  	s3 =	sand.u32 $0x4000, s31;
	s1 =	sadd.s32 s1, s30  }
0xbb: {  	s0 =	sor.u32 s3, s0;
	s1 =	sshll.u32 s1, $0x11  }
0xbc: {  	s0 =	sor.u32 s1, s0  }
0xbd: {  	s0 =	sadd.s32 $0x8F2B, s0  }
0xbe: {  	[sflag:s0] =	ssyncadd.remote.s32 $0x1  }
0xbf: {  	_ =	sfence.sel $0xFFFF  }
0xc0: {  	[dreg:$0x0] =	wrdreg $0xFFFFFFFF;
	(pc) =	sbr.abs _section_cstart, $3  }
0xc1: {  	[dreg:$0x1] =	wrdreg $0xFFFFFFFF  }
0xc2: {  	_ =	task.clear_ibuf [dreg:s7], $0x2FFFF;
	_ =	strace $0x9FFFFFFF  }
0xc3: {  	(tm) =	ssettm $0x7FFFFFFF  }
tec
execute0_lowered:
.L_overlay_start_1:
0x0: {  	(tag) =	ssettag $0x1  }
0x1: {  	s1 =	rddreg [dreg:$0x0]  }
0x2: {  	s0 =	srdreg.scid;
	s5 =	rddreg [dreg:$0x1]  }
0x3: {  	s10 =	stileid.u32;
	s3 =	rddreg [dreg:$0x2];
	s4 =	simm.s32 $0x0  }
0x4: {  	s28 =	simm.s32 $0x6800;
	s29 =	simm.s32 $0x80;
	s30 =	simm.s32 $0x2780  }
0x5: {  	s31 =	simm.s32 $0x1;
	s0 =	sand.u32 $0x1, s0;
	s2 =	sshll.u32 s10, $0x1  }
0x6: {  	s7 =	smul.u32 $0x4F00, s10;
	[smem:$0x7FF] =	sst s4;
	s11 =	sshrl.u32 s10, $0x2  }
0x7: {  	s12 =	sadd.s32 $0x15C00, s5;
	s13 =	sadd.s32 $0x16400, s5;
	s15 =	smul.u32 $0x50000, s10  }
0x8: {  	s23 =	sadd.s32 $0x20A00, s5;
	s20 =	smul.u32 $0x280, s10;
	s2 =	sor.u32 s0, s2  }
0x9: {  	s8 =	smul.u32 $0x2780, s0;
	_ =	strace $0x80000047;
	[dreg:$0x4] =	wrdreg s12  }
0xa: {  	[dreg:$0x5] =	wrdreg s13;
	s14 =	ssub.s32 $0x2, s0;
	s0 =	smul.u32 $0x2800, s0  }
0xb: {  	s6 =	smul.u32 $0x2780, s2;
	s2 =	sshll.u32 s2, $0x7;
	s16 =	sshrl.u32 s14, $0x1  }
0xc: {  	s17 =	sshrl.u32 s15, $0x2;
	s19 =	sadd.s32 $0x80, s20;
	s25 =	sadd.s32 $0x100, s20  }
0xd: {  	s7 =	sadd.s32 s8, s7;
	s8 =	smul.u32 $0x14000, s11;
	s2 =	sand.u32 $0x380, s2  }
0xe: {  	s18 =	sadd.s32 s0, s20;
	s21 =	sshll.u32 s19, $0x7;
	s6 =	sshrl.u32 s6, $0x3  }
0xf: {  	s26 =	sshll.u32 s25, $0x7;
	s7 =	sshrl.u32 s7, $0x3;
	s9 =	sadd.s32 s6, s5  }
0x10: {  	s24 =	sadd.s32 s7, s5;
	s2 =	sor.u32 s8, s2;
	s7 =	sadd.s32 s17, s3  }
0x11: {  	s6 =	sadd.s32 $0x180, s20;
	s2 =	sshrl.u32 s2, $0x3;
	s8 =	sadd.s32 $0x2000, s9  }
0x12: {  	s11 =	sadd.s32 $0x4000, s7;
	s12 =	sadd.s32 $0x8000, s7;
	s13 =	sadd.s32 $0xC000, s7  }
0x13: {  	s24 =	sadd.s32 $0xBE00, s24;
	s2 =	sadd.s32 s2, s5;
	s5 =	ssub.s32 s14, s16  }
0x14: {  	s14 =	sadd.s32 $0x10000, s7;
	s16 =	sadd.s32 s21, s3;
	s21 =	sadd.s32 $0x200, s20  }
0x15: {  	s9 =	sadd.s32 $0x16A00, s2;
	s10 =	smax.u32 s5, $0x1;
	s2 =	sshll.u32 s18, $0x4  }
0x16: {  	s5 =	sadd.s32 s0, s19;
	s18 =	sadd.s32 s26, s3;
	s26 =	sshll.u32 s21, $0x7  }
0x17: {  	s15 =	sadd.s32 s23, s2;
	s22 =	sshll.u32 s5, $0x4;
	s5 =	sadd.s32 s0, s25  }
0x18: {  	s25 =	sadd.s32 s0, s6;
	s0 =	sadd.s32 s0, s21;
	s17 =	sadd.s32 s23, s22  }
0x19: {  	s5 =	sshll.u32 s5, $0x4;
	s22 =	sshll.u32 s6, $0x7;
	s2 =	sshll.u32 s25, $0x4  }
0x1a: {  	s0 =	sshll.u32 s0, $0x4;
	s25 =	simm.s32 $0x2800;
	s19 =	sadd.s32 s23, s5  }
0x1b: {  	s20 =	sadd.s32 s22, s3;
	s21 =	sadd.s32 s23, s2;
	s22 =	sadd.s32 s26, s3  }
0x1c: {  	v0 =	vimm.f32 $1.000000000e+00;
	s23 =	sadd.s32 s23, s0;
	s26 =	simm.s32 $0x2;
	s0 =	simm.s32 $0x0  }
.LBB2_1:
0x1d: {  	s2 =	rddreg [dreg:$0x4]  }
0x1e: {  	[tilespmem:s25], [sflag:$0x2] =	stream.linear.gather [hbm4b:s2+s4], $0x4000, $0x38;
	[tilespmem:$0x1D000] =	vst v63  }
0x1f: {  	_ =	swait.ge [sflag:s26], $0x4000  }
0x20: {  	[sflag:s26] =	ssyncset.done $0x0  }
0x21: {  	s6 =	rddreg [dreg:$0x5];
	[sflag:s26] =	ssyncadd.s32 $0xFFFFC000  }
0x22: {  	[tilespmem:s28], [sflag:$0x2] =	stream.linear.gather [hbm4b:s6+s4], $0x2800, $0x38;
	[tilespmem:$0x1D000] =	vst v63  }
0x23: {  	_ =	swait.ge [sflag:s26], $0x2800  }
0x24: {  	[sflag:s26] =	ssyncset.done $0x0  }
0x25: {  	[sflag:s26] =	ssyncadd.s32 $0xFFFFD800  }
0x26: {  	[spmem:s7] =	stream.linear.scatter [tilespmem:s25], [sflag:$0x2], $0x4000, $0x38;
	[tilespmem:$0x1D000] =	vst v63  }
0x27: {  	_ =	swait.ge [sflag:s26], $0x4000  }
0x28: {  	[sflag:s26] =	ssyncset.done $0x0  }
0x29: {  	[sflag:s26] =	ssyncadd.s32 $0xFFFFC000  }
0x2a: {  	[spmem:s11] =	stream.linear.scatter [tilespmem:s25], [sflag:$0x2], $0x4000, $0x38;
	[tilespmem:$0x1D000] =	vst v63  }
0x2b: {  	_ =	swait.ge [sflag:s26], $0x4000  }
0x2c: {  	[sflag:s26] =	ssyncset.done $0x0  }
0x2d: {  	[sflag:s26] =	ssyncadd.s32 $0xFFFFC000  }
0x2e: {  	[spmem:s12] =	stream.linear.scatter [tilespmem:s25], [sflag:$0x2], $0x4000, $0x38;
	[tilespmem:$0x1D000] =	vst v63  }
0x2f: {  	_ =	swait.ge [sflag:s26], $0x4000  }
0x30: {  	[sflag:s26] =	ssyncset.done $0x0  }
0x31: {  	[sflag:s26] =	ssyncadd.s32 $0xFFFFC000  }
0x32: {  	[spmem:s13] =	stream.linear.scatter [tilespmem:s25], [sflag:$0x2], $0x4000, $0x38;
	[tilespmem:$0x1D000] =	vst v63  }
0x33: {  	_ =	swait.ge [sflag:s26], $0x4000  }
0x34: {  	[sflag:s26] =	ssyncset.done $0x0  }
0x35: {  	[sflag:s26] =	ssyncadd.s32 $0xFFFFC000  }
0x36: {  	[spmem:s14] =	stream.linear.scatter [tilespmem:s25], [sflag:$0x2], $0x4000, $0x38;
	[tilespmem:$0x1D000] =	vst v63  }
0x37: {  	_ =	swait.ge [sflag:s26], $0x4000  }
0x38: {  	[sflag:s26] =	ssyncset.done $0x0  }
0x39: {  	[sflag:s26] =	ssyncadd.s32 $0xFFFFC000  }
0x3a: {  	[bflag:$0x0] =	sbarrier.arrive $0xFFFF  }
0x3b: {  	[tilespmem:s4], [sflag:$0x2] =	stream.linear.gather [hbm4b:s8+s4], $0x2780, $0x38;
	[tilespmem:$0x1D000] =	vst v63  }
0x3c: {  	_ =	swait.ge [sflag:s26], $0x2780  }
0x3d: {  	[sflag:s26] =	ssyncset.done $0x0  }
0x3e: {  	s5 =	simm.s32 $0x0;
	s2 =	simm.s32 $0x0;
	[sflag:s26] =	ssyncadd.s32 $0xFFFFD880  }
.LBB2_2:
0x3f: {  	[tilespmem:s25], [sflag:$0x1] =	stream.indirect.gather [hbm4b:s1+s29], $0x80, s2, s29, $0xb8;
	[tilespmem:$0x1D000] =	vst v63  }
0x40: {  	s6 =	sadd.s32 s5, s24  }
0x41: {  	[tilespmem:s30], [sflag:$0x2] =	stream.linear.gather [hbm4b:s6+s4], $0x80, $0x38;
	[tilespmem:$0x1D000] =	vst v63  }
0x42: {  	_ =	swait.ge [sflag:s26], $0x80  }
0x43: {  	[sflag:s26] =	ssyncset.done $0x0  }
0x44: {  	[sflag:s26] =	ssyncadd.s32 $0xFFFFFF80  }
0x45: {  	_ =	swait.ge [sflag:s31], $0x4000  }
0x46: {  	[sflag:s31] =	ssyncset.done $0x0  }
0x47: {  	[sflag:s31] =	ssyncadd.s32 $0xFFFFC000  }
0x48: {  	[spmem:s3] =	stream.indirect.scatter.add.f32 [tilespmem:s25], [sflag:$0x2], $0x80, s30, s29, $0xb8;
	[tilespmem:$0x1D000] =	vst v63  }
0x49: {  	_ =	swait.ge [sflag:s26], $0x4000  }
0x4a: {  	[sflag:s26] =	ssyncset.done $0x0  }
0x4b: {  	[sflag:s26] =	ssyncadd.s32 $0xFFFFC000  }
0x4c: {  	v1 =	vld [tilespmem:$0x2780];
	_ =	sdelay $0x7  }
0x4d: {  	[tilespmem:v1+s28+$0x0] =	vst.idx.add.f32.msk $0xffff, v0  }
0x4e: {  	v1 =	vld [tilespmem:$0x2790];
	_ =	sdelay $0x7  }
0x4f: {  	[tilespmem:v1+s28+$0x0] =	vst.idx.add.f32.msk $0xffff, v0  }
0x50: {  	v1 =	vld [tilespmem:$0x27A0];
	_ =	sdelay $0x7  }
0x51: {  	[tilespmem:v1+s28+$0x0] =	vst.idx.add.f32.msk $0xffff, v0  }
0x52: {  	v1 =	vld [tilespmem:$0x27B0];
	_ =	sdelay $0x7  }
0x53: {  	[tilespmem:v1+s28+$0x0] =	vst.idx.add.f32.msk $0xffff, v0  }
0x54: {  	v1 =	vld [tilespmem:$0x27C0];
	_ =	sdelay $0x7  }
0x55: {  	[tilespmem:v1+s28+$0x0] =	vst.idx.add.f32.msk $0xffff, v0  }
0x56: {  	v1 =	vld [tilespmem:$0x27D0];
	_ =	sdelay $0x7  }
0x57: {  	[tilespmem:v1+s28+$0x0] =	vst.idx.add.f32.msk $0xffff, v0  }
0x58: {  	v1 =	vld [tilespmem:$0x27E0];
	_ =	sdelay $0x7  }
0x59: {  	[tilespmem:v1+s28+$0x0] =	vst.idx.add.f32.msk $0xffff, v0  }
0x5a: {  	v1 =	vld [tilespmem:$0x27F0];
	_ =	sdelay $0x2  }
0x5b: {  	p0 =	sne.s32 s5, $0x4E0  }
.Ltmp0:
0x5c: {  	_ = 	snop;
	(pc) =	sbr.rel @p0 .LBB2_2-.Ltmp0, $2  }
0x5d: {  	_ =	sdelay $0x2  }
0x5e: {  	s2 =	sadd.s32 $0x80, s2;
	s5 =	sadd.s32 $0x10, s5;
	[tilespmem:v1+s28+$0x0] =	vst.idx.add.f32.msk $0xffff, v0  }
0x5f: {  	[bflag:$0x0] =	sbarrier.arrive $0xFFFF  }
0x60: {  	[tilespmem:s25], [sflag:$0x2] =	stream.linear.gather [spmem:s7], $0x4000, $0x38;
	[tilespmem:$0x1D000] =	vst v63  }
0x61: {  	_ =	swait.ge [sflag:s26], $0x4000  }
0x62: {  	[sflag:s26] =	ssyncset.done $0x0  }
0x63: {  	[sflag:s26] =	ssyncadd.s32 $0xFFFFC000  }
0x64: {  	[hbm4b:s15+s4] =	stream.linear.scatter [tilespmem:s25], [sflag:$0x2], $0x4000, $0x38;
	[tilespmem:$0x1D000] =	vst v63  }
0x65: {  	_ =	swait.ge [sflag:s26], $0x4000  }
0x66: {  	[sflag:s26] =	ssyncset.done $0x0  }
0x67: {  	[sflag:s26] =	ssyncadd.s32 $0xFFFFC000  }
0x68: {  	[tilespmem:s25], [sflag:$0x2] =	stream.linear.gather [spmem:s16], $0x4000, $0x38;
	[tilespmem:$0x1D000] =	vst v63  }
0x69: {  	_ =	swait.ge [sflag:s26], $0x4000  }
0x6a: {  	[sflag:s26] =	ssyncset.done $0x0  }
0x6b: {  	[sflag:s26] =	ssyncadd.s32 $0xFFFFC000  }
0x6c: {  	[hbm4b:s17+s4] =	stream.linear.scatter [tilespmem:s25], [sflag:$0x2], $0x4000, $0x38;
	[tilespmem:$0x1D000] =	vst v63  }
0x6d: {  	_ =	swait.ge [sflag:s26], $0x4000  }
0x6e: {  	[sflag:s26] =	ssyncset.done $0x0  }
0x6f: {  	[sflag:s26] =	ssyncadd.s32 $0xFFFFC000  }
0x70: {  	[tilespmem:s25], [sflag:$0x2] =	stream.linear.gather [spmem:s18], $0x4000, $0x38;
	[tilespmem:$0x1D000] =	vst v63  }
0x71: {  	_ =	swait.ge [sflag:s26], $0x4000  }
0x72: {  	[sflag:s26] =	ssyncset.done $0x0  }
0x73: {  	[sflag:s26] =	ssyncadd.s32 $0xFFFFC000  }
0x74: {  	[hbm4b:s19+s4] =	stream.linear.scatter [tilespmem:s25], [sflag:$0x2], $0x4000, $0x38;
	[tilespmem:$0x1D000] =	vst v63  }
0x75: {  	_ =	swait.ge [sflag:s26], $0x4000  }
0x76: {  	[sflag:s26] =	ssyncset.done $0x0  }
0x77: {  	[sflag:s26] =	ssyncadd.s32 $0xFFFFC000  }
0x78: {  	[tilespmem:s25], [sflag:$0x2] =	stream.linear.gather [spmem:s20], $0x4000, $0x38;
	[tilespmem:$0x1D000] =	vst v63  }
0x79: {  	_ =	swait.ge [sflag:s26], $0x4000  }
0x7a: {  	[sflag:s26] =	ssyncset.done $0x0  }
0x7b: {  	[sflag:s26] =	ssyncadd.s32 $0xFFFFC000  }
0x7c: {  	[hbm4b:s21+s4] =	stream.linear.scatter [tilespmem:s25], [sflag:$0x2], $0x4000, $0x38;
	[tilespmem:$0x1D000] =	vst v63  }
0x7d: {  	_ =	swait.ge [sflag:s26], $0x4000  }
0x7e: {  	[sflag:s26] =	ssyncset.done $0x0  }
0x7f: {  	[sflag:s26] =	ssyncadd.s32 $0xFFFFC000  }
0x80: {  	[tilespmem:s25], [sflag:$0x2] =	stream.linear.gather [spmem:s22], $0x4000, $0x38;
	[tilespmem:$0x1D000] =	vst v63  }
0x81: {  	_ =	swait.ge [sflag:s26], $0x4000  }
0x82: {  	[sflag:s26] =	ssyncset.done $0x0  }
0x83: {  	[sflag:s26] =	ssyncadd.s32 $0xFFFFC000  }
0x84: {  	[hbm4b:s23+s4] =	stream.linear.scatter [tilespmem:s25], [sflag:$0x2], $0x4000, $0x38;
	[tilespmem:$0x1D000] =	vst v63  }
0x85: {  	s0 =	sadd.s32 $0x1, s0;
	_ =	swait.ge [sflag:s26], $0x4000  }
0x86: {  	p0 =	sne.s32 s0, s10;
	[sflag:s26] =	ssyncset.done $0x0  }
.Ltmp1:
0x87: {  	s2 =	simm.s32 $0x400;
	[sflag:s26] =	ssyncadd.s32 $0xFFFFC000;
	(pc) =	sbr.rel @p0 .LBB2_1-.Ltmp1, $4  }
0x88: {  	[hbm4b:s9+s29] =	stream.strided.scatter [tilespmem:s28], [sflag:$0x2], $0x2800, s2, s29, $0x38;
	[tilespmem:$0x1D000] =	vst v63  }
0x89: {  	_ =	swait.ge [sflag:s26], $0x2800  }
0x8a: {  	[sflag:s26] =	ssyncset.done $0x0  }
0x8b: {  	[sflag:s26] =	ssyncadd.s32 $0xFFFFD800  }
0x8c: {  	_ =	sfence.sel $0x180000  }
0x8d: {  	[bflag:$0x0] =	sbarrier.arrive $0xFFFF  }
0x8e: {  	_ =	strace $0x90000047  }
0x8f: {  	s0 =	stileid.u32;
	[bflag:$0x2] =	sbarrier.arrive $0xFFFF  }
0x90: {  	p0 =	sne.s32 s0, $0x0;
	s0 =	rddreg [dreg:$0x3]  }
0x91: {  	s0 =	sadd.s32 @!p0 $0x100000, s0  }
0x92: {  	[sflag:s0] =	ssyncadd.tile.s32 @!p0 $0x1;
	_ =	shalt  }
.Lfunc_end2:
_tile_overlayer_lowered:
.L_overlay_start_2:
0x93: {  	(tag) =	ssettag $0x2  }
0x94: {  	s0 =	rddreg [dreg:$0x0];
	s2 =	stileid.u32  }
0x95: {  	s1 =	rddreg [dreg:$0x1];
	p0 =	sne.s32 s2, $0x0  }
0x96: {  	s3 =	rddreg [dreg:$0x2];
	[bflag:$0x3] =	sbarrier.arrive $0xFFFF;
	s2 =	simm.s32 @!p0 $0x1C02  }
0x97: {  	[timem:s3], [sflag:s2] =	dma.local @!p0 [hbm:s0], s1  }
0x98: {  	s0 =	simm.s32 @!p0 $0x2  }
0x99: {  	_ =	swait.ge @!p0 [sflag:s0], s1  }
0x9a: {  	s1 =	ssub.s32 @!p0 $0x0, s1;
	[sflag:s0] =	ssyncset.done @!p0 $0x0  }
0x9b: {  	[sflag:s0] =	ssyncadd.s32 @!p0 s1  }
0x9c: {  	[bflag:$0x3] =	sbarrier.arrive $0xFFFF  }
0x9d: {  	_ =	shalt  }

</sc_bundles>
